<compile_context>
chip_gen: v7x
topology: tpu7x:2x2x1
jax: 0.10.2.dev20260603
libtpu: 0.0.44.dev20260713+nightly
codegen_flags: <defaults>
</compile_context>

<pallas_src>
import functools

import jax
import jax.numpy as jnp
from jax import lax
from jax.experimental import pallas as pl
from jax.experimental.pallas import tpu as pltpu
from jax.experimental.pallas import tpu_sc as plsc

D_MODEL = 64
B_TOTAL = 4096 * 200
NUM_WORKERS = 32
B_PER_W = B_TOTAL // NUM_WORKERS
CHUNK = 128
N_CHUNKS = B_PER_W // CHUNK
SCALE = 8.0
LANES = 16
NBUF = 4


@functools.partial(
    pl.kernel,
    mesh=plsc.VectorSubcoreMesh(core_axis_name="c", subcore_axis_name="s"),
    out_type=jax.ShapeDtypeStruct((B_TOTAL, D_MODEL), jnp.float32),
    compiler_params=pltpu.CompilerParams(use_tc_tiling_on_sc=False),
    scratch_types=[
        pltpu.VMEM((N_CHUNKS, CHUNK), jnp.int32),
        pltpu.VMEM((NBUF, CHUNK, D_MODEL), jnp.float32),
        pltpu.VMEM((NBUF, CHUNK, D_MODEL), jnp.float32),
        pltpu.SemaphoreType.DMA((NBUF,)),
        pltpu.SemaphoreType.DMA((NBUF,)),
    ],
)
def _emb_lookup(idx_hbm, table_hbm, out_hbm, idx_v, buf_g, buf_s, gsem, ssem):
    wid = lax.axis_index("s") * 2 + lax.axis_index("c")
    base = wid * B_PER_W
    pltpu.sync_copy(idx_hbm.at[pl.ds(wid * N_CHUNKS, N_CHUNKS)], idx_v)

    def start_gather(g, b):
        pltpu.async_copy(table_hbm.at[idx_v.at[g]], buf_g.at[b], gsem.at[b])

    for b in range(NBUF):
        start_gather(b, b)

    @pl.loop(0, N_CHUNKS, step=NBUF)
    def _outer(i0):
        for b in range(NBUF):
            i = i0 + b
            pltpu.make_async_copy(table_hbm.at[idx_v.at[i]],
                                  buf_g.at[b], gsem.at[b]).wait()
            @pl.when(i >= NBUF)
            def _():
                pltpu.make_async_copy(
                    buf_s.at[b],
                    out_hbm.at[pl.ds(base + (i - NBUF) * CHUNK, CHUNK)],
                    ssem.at[b]).wait()

            def row_body(r, c):
                for j in range(D_MODEL // LANES):
                    sl = pl.ds(j * LANES, LANES)
                    buf_s[b, r, sl] = buf_g[b, r, sl] * SCALE
                return c

            lax.fori_loop(0, CHUNK, row_body, 0)

            @pl.when(i + NBUF < N_CHUNKS)
            def _():
                start_gather(i + NBUF, b)

            pltpu.async_copy(
                buf_s.at[b],
                out_hbm.at[pl.ds(base + i * CHUNK, CHUNK)],
                ssem.at[b])

    for b in range(NBUF):
        i = N_CHUNKS - NBUF + b
        pltpu.make_async_copy(
            buf_s.at[b],
            out_hbm.at[pl.ds(base + i * CHUNK, CHUNK)],
            ssem.at[b]).wait()


def kernel(x, table):
    idx = x.reshape(-1).astype(jnp.int32).reshape(-1, CHUNK)
    out = _emb_lookup(idx, table)
    return out.reshape(x.shape + (D_MODEL,))

# --- scband reference (transcript-rebuilt; emitter-appended) ---
"""Pipeline reference for scband-scaled-embedding-33337536151662 (READ-ONLY COPY).

The authoritative reference and input builder live on the scoring server;
editing this copy changes nothing except your own understanding.
"""

import jax, jax.numpy as jnp
import numpy as np

D_MODEL = 64
VOCAB_SIZE = 1000000

def setup_inputs(seed: int = 0) -> dict:
    key = jax.random.key(seed)
    k1, k2 = jax.random.split(key)
    x = jax.random.randint(k1, (4096, 200), 0, VOCAB_SIZE, dtype=jnp.int64)
    # learned embedding table per init_kwargs (vocab_size, d_model)
    table = jax.random.normal(k2, (VOCAB_SIZE, D_MODEL), dtype=jnp.float32) * 0.02
    return {"x": x, "table": table}

def reference(x, table):
    # ScaledEmbedding.forward: embed(x) * sqrt(d_model)
    emb = jnp.take(table, x, axis=0)
    return emb * jnp.sqrt(jnp.float32(D_MODEL))

if __name__ == "__main__":
    import jax
    _d = setup_inputs()
    print(jax.jit(kernel)(*tuple(_d.values())))

</pallas_src>

<mosaic_0001>
#map = affine_map<(d0, d1) -> (0, 0)>
module attributes {stable_mosaic.version = 14 : i64} {
  func.func @_emb_lookup(%arg0: i32, %arg1: i32, %arg2: memref<6400x128xi32, #tpu.memory_space<hbm>>, %arg3: memref<1000000x64xf32, #tpu.memory_space<hbm>>, %arg4: memref<819200x64xf32, #tpu.memory_space<hbm>>, %arg5: memref<200x128xi32, #tpu.memory_space<vmem>>, %arg6: memref<4x128x64xf32, #tpu.memory_space<vmem>>, %arg7: memref<4x128x64xf32, #tpu.memory_space<vmem>>, %arg8: memref<4x!tpu.dma_semaphore, #tpu.memory_space<semaphore_mem>>, %arg9: memref<4x!tpu.dma_semaphore, #tpu.memory_space<semaphore_mem>>) attributes {dimension_semantics = [#tpu.dimension_semantics<core_parallel>, #tpu.dimension_semantics<subcore_parallel>], iteration_bounds = array<i64: 2, 16>, scalar_prefetch = 0 : i64, scratch_operands = 5 : i64, tpu.core_type = #tpu.core_type<sc_vector_subcore>, window_params = [{transform_indices = #map}, {transform_indices = #map}, {transform_indices = #map}]} {
    %mul3A = arith.constant 2 : i32
    %mul3A_0 = arith.muli %arg1, %mul3A : i32
    %add3A = arith.addi %mul3A_0, %arg0 : i32
    %mul3A_1 = arith.constant 25600 : i32
    %mul3A_2 = arith.muli %add3A, %mul3A_1 : i32
    %mul3A_3 = arith.constant 200 : i32
    %mul3A_4 = arith.muli %add3A, %mul3A_3 : i32
    "tpu.region"() ({
      %run_scoped3A = tpu.sem_alloc : memref<!tpu.dma_semaphore, #tpu.memory_space<semaphore_mem>>
      %dma_start3A_139 = arith.constant 0 : i32
      %dma_start3A_140 = tpu.memref_slice %arg2[%mul3A_4, %dma_start3A_139] : memref<6400x128xi32, #tpu.memory_space<hbm>> -> memref<200x128xi32, #tpu.memory_space<hbm>>
      %dma_start3A_141 = arith.constant 0 : i32
      %dma_start3A_142 = tpu.memref_slice %arg2[%mul3A_4, %dma_start3A_141] : memref<6400x128xi32, #tpu.memory_space<hbm>> -> memref<200x128xi32, #tpu.memory_space<hbm>>
      tpu.enqueue_dma source(%dma_start3A_142 : memref<200x128xi32, #tpu.memory_space<hbm>>) target(%arg5 : memref<200x128xi32, #tpu.memory_space<vmem>>) target_semaphore(%run_scoped3A : memref<!tpu.dma_semaphore, #tpu.memory_space<semaphore_mem>>)
      %dma_wait3A_143 = arith.constant 0 : i32
      %dma_wait3A_144 = tpu.memref_slice %arg2[%mul3A_4, %dma_wait3A_143] : memref<6400x128xi32, #tpu.memory_space<hbm>> -> memref<200x128xi32, #tpu.memory_space<hbm>>
      %dma_wait3A_145 = arith.constant 0 : i32
      %dma_wait3A_146 = tpu.memref_slice %arg2[%mul3A_4, %dma_wait3A_145] : memref<6400x128xi32, #tpu.memory_space<hbm>> -> memref<200x128xi32, #tpu.memory_space<hbm>>
      tpu.wait_dma2 semaphore(%run_scoped3A : memref<!tpu.dma_semaphore, #tpu.memory_space<semaphore_mem>>) src(%dma_wait3A_146 : memref<200x128xi32, #tpu.memory_space<hbm>>) dst(%arg5 : memref<200x128xi32, #tpu.memory_space<vmem>>)
      tpu.yield
    }) : () -> ()
    %dma_start3A = arith.constant 0 : i32
    %dma_start3A_5 = arith.constant 0 : i32
    %dma_start3A_6 = arith.constant 0 : i32
    %dma_start3A_7 = arith.constant 0 : i32
    %dma_start3A_8 = arith.constant 0 : i32
    %dma_start3A_9 = tpu.memref_slice %arg6[%dma_start3A_5, %dma_start3A_7, %dma_start3A_8] : memref<4x128x64xf32, #tpu.memory_space<vmem>> -> memref<1x128x64xf32, #tpu.memory_space<vmem>>
    %dma_start3A_10 = tpu.memref_squeeze %dma_start3A_9 : memref<1x128x64xf32, #tpu.memory_space<vmem>> -> memref<128x64xf32, #tpu.memory_space<vmem>>
    %dma_start3A_11 = arith.constant 0 : i32
    %dma_start3A_12 = tpu.memref_slice %arg5[%dma_start3A, %dma_start3A_11] : memref<200x128xi32, #tpu.memory_space<vmem>> -> memref<1x128xi32, #tpu.memory_space<vmem>>
    %dma_start3A_13 = tpu.memref_squeeze %dma_start3A_12 : memref<1x128xi32, #tpu.memory_space<vmem>> -> memref<128xi32, #tpu.memory_space<vmem>>
    %dma_start3A_14 = arith.constant 0 : i32
    %dma_start3A_15 = arith.constant 0 : i32
    %dma_start3A_16 = tpu.memref_slice %arg3[%dma_start3A_14, %dma_start3A_15] : memref<1000000x64xf32, #tpu.memory_space<hbm>> -> memref<1000000x64xf32, #tpu.memory_space<hbm>>
    %dma_start3A_17 = tpu.memref_slice %arg8[%dma_start3A_6] : memref<4x!tpu.dma_semaphore, #tpu.memory_space<semaphore_mem>> -> memref<1x!tpu.dma_semaphore, #tpu.memory_space<semaphore_mem>>
    %dma_start3A_18 = tpu.memref_squeeze %dma_start3A_17 : memref<1x!tpu.dma_semaphore, #tpu.memory_space<semaphore_mem>> -> memref<!tpu.dma_semaphore, #tpu.memory_space<semaphore_mem>>
    tpu.enqueue_indirect_dma source(%dma_start3A_16 : memref<1000000x64xf32, #tpu.memory_space<hbm>>) target(%dma_start3A_10 : memref<128x64xf32, #tpu.memory_space<vmem>>) offsets(%dma_start3A_13 : memref<128xi32, #tpu.memory_space<vmem>>) semaphore(%dma_start3A_18 : memref<!tpu.dma_semaphore, #tpu.memory_space<semaphore_mem>>)
    %dma_start3A_19 = arith.constant 1 : i32
    %dma_start3A_20 = arith.constant 1 : i32
    %dma_start3A_21 = arith.constant 1 : i32
    %dma_start3A_22 = arith.constant 0 : i32
    %dma_start3A_23 = arith.constant 0 : i32
    %dma_start3A_24 = tpu.memref_slice %arg6[%dma_start3A_20, %dma_start3A_22, %dma_start3A_23] : memref<4x128x64xf32, #tpu.memory_space<vmem>> -> memref<1x128x64xf32, #tpu.memory_space<vmem>>
    %dma_start3A_25 = tpu.memref_squeeze %dma_start3A_24 : memref<1x128x64xf32, #tpu.memory_space<vmem>> -> memref<128x64xf32, #tpu.memory_space<vmem>>
    %dma_start3A_26 = arith.constant 0 : i32
    %dma_start3A_27 = tpu.memref_slice %arg5[%dma_start3A_19, %dma_start3A_26] : memref<200x128xi32, #tpu.memory_space<vmem>> -> memref<1x128xi32, #tpu.memory_space<vmem>>
    %dma_start3A_28 = tpu.memref_squeeze %dma_start3A_27 : memref<1x128xi32, #tpu.memory_space<vmem>> -> memref<128xi32, #tpu.memory_space<vmem>>
    %dma_start3A_29 = arith.constant 0 : i32
    %dma_start3A_30 = arith.constant 0 : i32
    %dma_start3A_31 = tpu.memref_slice %arg3[%dma_start3A_29, %dma_start3A_30] : memref<1000000x64xf32, #tpu.memory_space<hbm>> -> memref<1000000x64xf32, #tpu.memory_space<hbm>>
    %dma_start3A_32 = tpu.memref_slice %arg8[%dma_start3A_21] : memref<4x!tpu.dma_semaphore, #tpu.memory_space<semaphore_mem>> -> memref<1x!tpu.dma_semaphore, #tpu.memory_space<semaphore_mem>>
    %dma_start3A_33 = tpu.memref_squeeze %dma_start3A_32 : memref<1x!tpu.dma_semaphore, #tpu.memory_space<semaphore_mem>> -> memref<!tpu.dma_semaphore, #tpu.memory_space<semaphore_mem>>
    tpu.enqueue_indirect_dma source(%dma_start3A_31 : memref<1000000x64xf32, #tpu.memory_space<hbm>>) target(%dma_start3A_25 : memref<128x64xf32, #tpu.memory_space<vmem>>) offsets(%dma_start3A_28 : memref<128xi32, #tpu.memory_space<vmem>>) semaphore(%dma_start3A_33 : memref<!tpu.dma_semaphore, #tpu.memory_space<semaphore_mem>>)
    %dma_start3A_34 = arith.constant 2 : i32
    %dma_start3A_35 = arith.constant 2 : i32
    %dma_start3A_36 = arith.constant 2 : i32
    %dma_start3A_37 = arith.constant 0 : i32
    %dma_start3A_38 = arith.constant 0 : i32
    %dma_start3A_39 = tpu.memref_slice %arg6[%dma_start3A_35, %dma_start3A_37, %dma_start3A_38] : memref<4x128x64xf32, #tpu.memory_space<vmem>> -> memref<1x128x64xf32, #tpu.memory_space<vmem>>
    %dma_start3A_40 = tpu.memref_squeeze %dma_start3A_39 : memref<1x128x64xf32, #tpu.memory_space<vmem>> -> memref<128x64xf32, #tpu.memory_space<vmem>>
    %dma_start3A_41 = arith.constant 0 : i32
    %dma_start3A_42 = tpu.memref_slice %arg5[%dma_start3A_34, %dma_start3A_41] : memref<200x128xi32, #tpu.memory_space<vmem>> -> memref<1x128xi32, #tpu.memory_space<vmem>>
    %dma_start3A_43 = tpu.memref_squeeze %dma_start3A_42 : memref<1x128xi32, #tpu.memory_space<vmem>> -> memref<128xi32, #tpu.memory_space<vmem>>
    %dma_start3A_44 = arith.constant 0 : i32
    %dma_start3A_45 = arith.constant 0 : i32
    %dma_start3A_46 = tpu.memref_slice %arg3[%dma_start3A_44, %dma_start3A_45] : memref<1000000x64xf32, #tpu.memory_space<hbm>> -> memref<1000000x64xf32, #tpu.memory_space<hbm>>
    %dma_start3A_47 = tpu.memref_slice %arg8[%dma_start3A_36] : memref<4x!tpu.dma_semaphore, #tpu.memory_space<semaphore_mem>> -> memref<1x!tpu.dma_semaphore, #tpu.memory_space<semaphore_mem>>
    %dma_start3A_48 = tpu.memref_squeeze %dma_start3A_47 : memref<1x!tpu.dma_semaphore, #tpu.memory_space<semaphore_mem>> -> memref<!tpu.dma_semaphore, #tpu.memory_space<semaphore_mem>>
    tpu.enqueue_indirect_dma source(%dma_start3A_46 : memref<1000000x64xf32, #tpu.memory_space<hbm>>) target(%dma_start3A_40 : memref<128x64xf32, #tpu.memory_space<vmem>>) offsets(%dma_start3A_43 : memref<128xi32, #tpu.memory_space<vmem>>) semaphore(%dma_start3A_48 : memref<!tpu.dma_semaphore, #tpu.memory_space<semaphore_mem>>)
    %dma_start3A_49 = arith.constant 3 : i32
    %dma_start3A_50 = arith.constant 3 : i32
    %dma_start3A_51 = arith.constant 3 : i32
    %dma_start3A_52 = arith.constant 0 : i32
    %dma_start3A_53 = arith.constant 0 : i32
    %dma_start3A_54 = tpu.memref_slice %arg6[%dma_start3A_50, %dma_start3A_52, %dma_start3A_53] : memref<4x128x64xf32, #tpu.memory_space<vmem>> -> memref<1x128x64xf32, #tpu.memory_space<vmem>>
    %dma_start3A_55 = tpu.memref_squeeze %dma_start3A_54 : memref<1x128x64xf32, #tpu.memory_space<vmem>> -> memref<128x64xf32, #tpu.memory_space<vmem>>
    %dma_start3A_56 = arith.constant 0 : i32
    %dma_start3A_57 = tpu.memref_slice %arg5[%dma_start3A_49, %dma_start3A_56] : memref<200x128xi32, #tpu.memory_space<vmem>> -> memref<1x128xi32, #tpu.memory_space<vmem>>
    %dma_start3A_58 = tpu.memref_squeeze %dma_start3A_57 : memref<1x128xi32, #tpu.memory_space<vmem>> -> memref<128xi32, #tpu.memory_space<vmem>>
    %dma_start3A_59 = arith.constant 0 : i32
    %dma_start3A_60 = arith.constant 0 : i32
    %dma_start3A_61 = tpu.memref_slice %arg3[%dma_start3A_59, %dma_start3A_60] : memref<1000000x64xf32, #tpu.memory_space<hbm>> -> memref<1000000x64xf32, #tpu.memory_space<hbm>>
    %dma_start3A_62 = tpu.memref_slice %arg8[%dma_start3A_51] : memref<4x!tpu.dma_semaphore, #tpu.memory_space<semaphore_mem>> -> memref<1x!tpu.dma_semaphore, #tpu.memory_space<semaphore_mem>>
    %dma_start3A_63 = tpu.memref_squeeze %dma_start3A_62 : memref<1x!tpu.dma_semaphore, #tpu.memory_space<semaphore_mem>> -> memref<!tpu.dma_semaphore, #tpu.memory_space<semaphore_mem>>
    tpu.enqueue_indirect_dma source(%dma_start3A_61 : memref<1000000x64xf32, #tpu.memory_space<hbm>>) target(%dma_start3A_55 : memref<128x64xf32, #tpu.memory_space<vmem>>) offsets(%dma_start3A_58 : memref<128xi32, #tpu.memory_space<vmem>>) semaphore(%dma_start3A_63 : memref<!tpu.dma_semaphore, #tpu.memory_space<semaphore_mem>>)
    %scan3A = arith.constant 0 : i32
    %scan3A_64 = arith.constant 50 : i32
    %scan3A_65 = arith.addi %scan3A, %scan3A_64 : i32
    %scan3A_66 = arith.constant 1 : i32
    scf.for %scan3A_139 = %scan3A to %scan3A_65 step %scan3A_66  : i32 {
      %mul3A_140 = arith.constant 4 : i32
      %mul3A_141 = arith.muli %scan3A_139, %mul3A_140 : i32
      %add3A_142 = arith.constant 0 : i32
      %add3A_143 = arith.addi %add3A_142, %mul3A_141 : i32
      %add3A_144 = arith.constant 0 : i32
      %add3A_145 = arith.addi %add3A_143, %add3A_144 : i32
      %dma_wait3A_146 = arith.constant 0 : i32
      %dma_wait3A_147 = arith.constant 0 : i32
      %dma_wait3A_148 = arith.constant 0 : i32
      %dma_wait3A_149 = arith.constant 0 : i32
      %dma_wait3A_150 = tpu.memref_slice %arg6[%dma_wait3A_146, %dma_wait3A_148, %dma_wait3A_149] : memref<4x128x64xf32, #tpu.memory_space<vmem>> -> memref<1x128x64xf32, #tpu.memory_space<vmem>>
      %dma_wait3A_151 = tpu.memref_squeeze %dma_wait3A_150 : memref<1x128x64xf32, #tpu.memory_space<vmem>> -> memref<128x64xf32, #tpu.memory_space<vmem>>
      %dma_wait3A_152 = arith.constant 0 : i32
      %dma_wait3A_153 = tpu.memref_slice %arg5[%add3A_145, %dma_wait3A_152] : memref<200x128xi32, #tpu.memory_space<vmem>> -> memref<1x128xi32, #tpu.memory_space<vmem>>
      %dma_wait3A_154 = tpu.memref_squeeze %dma_wait3A_153 : memref<1x128xi32, #tpu.memory_space<vmem>> -> memref<128xi32, #tpu.memory_space<vmem>>
      %dma_wait3A_155 = arith.constant 0 : i32
      %dma_wait3A_156 = arith.constant 0 : i32
      %dma_wait3A_157 = tpu.memref_slice %arg3[%dma_wait3A_155, %dma_wait3A_156] : memref<1000000x64xf32, #tpu.memory_space<hbm>> -> memref<1000000x64xf32, #tpu.memory_space<hbm>>
      %dma_wait3A_158 = tpu.memref_slice %arg8[%dma_wait3A_147] : memref<4x!tpu.dma_semaphore, #tpu.memory_space<semaphore_mem>> -> memref<1x!tpu.dma_semaphore, #tpu.memory_space<semaphore_mem>>
      %dma_wait3A_159 = tpu.memref_squeeze %dma_wait3A_158 : memref<1x!tpu.dma_semaphore, #tpu.memory_space<semaphore_mem>> -> memref<!tpu.dma_semaphore, #tpu.memory_space<semaphore_mem>>
      tpu.wait_indirect_dma semaphore(%dma_wait3A_159 : memref<!tpu.dma_semaphore, #tpu.memory_space<semaphore_mem>>) src(%dma_wait3A_157 : memref<1000000x64xf32, #tpu.memory_space<hbm>>) dst(%dma_wait3A_151 : memref<128x64xf32, #tpu.memory_space<vmem>>)
      %ge3A = arith.constant 4 : i32
      %ge3A_160 = arith.cmpi sge, %add3A_145, %ge3A : i32
      %convert_element_type3A = arith.extui %ge3A_160 : i1 to i32
      %cond3A = arith.constant 0 : i32
      %cond3A_161 = arith.cmpi ne, %convert_element_type3A, %cond3A : i32
      scf.if %cond3A_161 {
        %sub3A = arith.constant 4 : i32
        %sub3A_352 = arith.subi %add3A_145, %sub3A : i32
        %mul3A_353 = arith.constant 128 : i32
        %mul3A_354 = arith.muli %sub3A_352, %mul3A_353 : i32
        %add3A_355 = arith.addi %mul3A_2, %mul3A_354 : i32
        %dma_wait3A_356 = arith.constant 0 : i32
        %dma_wait3A_357 = arith.constant 0 : i32
        %dma_wait3A_358 = arith.constant 0 : i32
        %dma_wait3A_359 = arith.constant 0 : i32
        %dma_wait3A_360 = tpu.memref_slice %arg7[%dma_wait3A_356, %dma_wait3A_358, %dma_wait3A_359] : memref<4x128x64xf32, #tpu.memory_space<vmem>> -> memref<1x128x64xf32, #tpu.memory_space<vmem>>
        %dma_wait3A_361 = tpu.memref_squeeze %dma_wait3A_360 : memref<1x128x64xf32, #tpu.memory_space<vmem>> -> memref<128x64xf32, #tpu.memory_space<vmem>>
        %dma_wait3A_362 = arith.constant 0 : i32
        %dma_wait3A_363 = tpu.memref_slice %arg4[%add3A_355, %dma_wait3A_362] : memref<819200x64xf32, #tpu.memory_space<hbm>> -> memref<128x64xf32, #tpu.memory_space<hbm>>
        %dma_wait3A_364 = tpu.memref_slice %arg9[%dma_wait3A_357] : memref<4x!tpu.dma_semaphore, #tpu.memory_space<semaphore_mem>> -> memref<1x!tpu.dma_semaphore, #tpu.memory_space<semaphore_mem>>
        %dma_wait3A_365 = tpu.memref_squeeze %dma_wait3A_364 : memref<1x!tpu.dma_semaphore, #tpu.memory_space<semaphore_mem>> -> memref<!tpu.dma_semaphore, #tpu.memory_space<semaphore_mem>>
        %dma_wait3A_366 = arith.constant 0 : i32
        %dma_wait3A_367 = tpu.memref_slice %arg4[%add3A_355, %dma_wait3A_366] : memref<819200x64xf32, #tpu.memory_space<hbm>> -> memref<128x64xf32, #tpu.memory_space<hbm>>
        %dma_wait3A_368 = arith.constant 0 : i32
        %dma_wait3A_369 = arith.constant 0 : i32
        %dma_wait3A_370 = tpu.memref_slice %arg7[%dma_wait3A_356, %dma_wait3A_368, %dma_wait3A_369] : memref<4x128x64xf32, #tpu.memory_space<vmem>> -> memref<1x128x64xf32, #tpu.memory_space<vmem>>
        %dma_wait3A_371 = tpu.memref_squeeze %dma_wait3A_370 : memref<1x128x64xf32, #tpu.memory_space<vmem>> -> memref<128x64xf32, #tpu.memory_space<vmem>>
        tpu.wait_dma2 semaphore(%dma_wait3A_365 : memref<!tpu.dma_semaphore, #tpu.memory_space<semaphore_mem>>) src(%dma_wait3A_371 : memref<128x64xf32, #tpu.memory_space<vmem>>) dst(%dma_wait3A_367 : memref<128x64xf32, #tpu.memory_space<hbm>>)
      } else {
      }
      %scan3A_162 = arith.constant 0 : i32
      %scan3A_163 = arith.constant 0 : i32
      %scan3A_164 = arith.constant 128 : i32
      %scan3A_165 = arith.addi %scan3A_163, %scan3A_164 : i32
      %scan3A_166 = arith.constant 1 : i32
      scf.for %scan3A_352 = %scan3A_163 to %scan3A_165 step %scan3A_166  : i32 {
        %get3A = arith.constant 0 : i32
        %get3A_353 = arith.index_cast %get3A : i32 to index
        %get3A_354 = arith.index_cast %scan3A_352 : i32 to index
        %get3A_355 = arith.constant 0 : index
        %get3A_356 = tpu.vector_load %arg6[%get3A_353, %get3A_354, %get3A_355] {strides = array<i32>} : memref<4x128x64xf32, #tpu.memory_space<vmem>>, vector<1x1x16xf32>,
        %get3A_357 = vector.shape_cast %get3A_356 : vector<1x1x16xf32> to vector<16xf32>
        %mul3A_358 = arith.constant 8.000000e+00 : f32
        %mul3A_359 = vector.broadcast %mul3A_358 : f32 to vector<16xf32>
        %mul3A_360 = arith.mulf %get3A_357, %mul3A_359 : vector<16xf32>
        %swap3A = arith.constant 0 : i32
        %swap3A_361 = arith.index_cast %swap3A : i32 to index
        %swap3A_362 = arith.index_cast %scan3A_352 : i32 to index
        %swap3A_363 = arith.constant 0 : index
        %swap3A_364 = tpu.vector_load %arg7[%swap3A_361, %swap3A_362, %swap3A_363] {strides = array<i32>} : memref<4x128x64xf32, #tpu.memory_space<vmem>>, vector<1x1x16xf32>,
        %swap3A_365 = vector.shape_cast %swap3A_364 : vector<1x1x16xf32> to vector<16xf32>
        %swap3A_366 = vector.shape_cast %mul3A_360 : vector<16xf32> to vector<1x1x16xf32>
        tpu.vector_store %arg7[%swap3A_361, %swap3A_362, %swap3A_363], %swap3A_366 {strides = array<i32>} : memref<4x128x64xf32, #tpu.memory_space<vmem>>, vector<1x1x16xf32>,
        %get3A_367 = arith.constant 0 : i32
        %get3A_368 = arith.index_cast %get3A_367 : i32 to index
        %get3A_369 = arith.index_cast %scan3A_352 : i32 to index
        %get3A_370 = arith.constant 16 : index
        %get3A_371 = tpu.vector_load %arg6[%get3A_368, %get3A_369, %get3A_370] {strides = array<i32>} : memref<4x128x64xf32, #tpu.memory_space<vmem>>, vector<1x1x16xf32>,
        %get3A_372 = vector.shape_cast %get3A_371 : vector<1x1x16xf32> to vector<16xf32>
        %mul3A_373 = arith.constant 8.000000e+00 : f32
        %mul3A_374 = vector.broadcast %mul3A_373 : f32 to vector<16xf32>
        %mul3A_375 = arith.mulf %get3A_372, %mul3A_374 : vector<16xf32>
        %swap3A_376 = arith.constant 0 : i32
        %swap3A_377 = arith.index_cast %swap3A_376 : i32 to index
        %swap3A_378 = arith.index_cast %scan3A_352 : i32 to index
        %swap3A_379 = arith.constant 16 : index
        %swap3A_380 = tpu.vector_load %arg7[%swap3A_377, %swap3A_378, %swap3A_379] {strides = array<i32>} : memref<4x128x64xf32, #tpu.memory_space<vmem>>, vector<1x1x16xf32>,
        %swap3A_381 = vector.shape_cast %swap3A_380 : vector<1x1x16xf32> to vector<16xf32>
        %swap3A_382 = vector.shape_cast %mul3A_375 : vector<16xf32> to vector<1x1x16xf32>
        tpu.vector_store %arg7[%swap3A_377, %swap3A_378, %swap3A_379], %swap3A_382 {strides = array<i32>} : memref<4x128x64xf32, #tpu.memory_space<vmem>>, vector<1x1x16xf32>,
        %get3A_383 = arith.constant 0 : i32
        %get3A_384 = arith.index_cast %get3A_383 : i32 to index
        %get3A_385 = arith.index_cast %scan3A_352 : i32 to index
        %get3A_386 = arith.constant 32 : index
        %get3A_387 = tpu.vector_load %arg6[%get3A_384, %get3A_385, %get3A_386] {strides = array<i32>} : memref<4x128x64xf32, #tpu.memory_space<vmem>>, vector<1x1x16xf32>,
        %get3A_388 = vector.shape_cast %get3A_387 : vector<1x1x16xf32> to vector<16xf32>
        %mul3A_389 = arith.constant 8.000000e+00 : f32
        %mul3A_390 = vector.broadcast %mul3A_389 : f32 to vector<16xf32>
        %mul3A_391 = arith.mulf %get3A_388, %mul3A_390 : vector<16xf32>
        %swap3A_392 = arith.constant 0 : i32
        %swap3A_393 = arith.index_cast %swap3A_392 : i32 to index
        %swap3A_394 = arith.index_cast %scan3A_352 : i32 to index
        %swap3A_395 = arith.constant 32 : index
        %swap3A_396 = tpu.vector_load %arg7[%swap3A_393, %swap3A_394, %swap3A_395] {strides = array<i32>} : memref<4x128x64xf32, #tpu.memory_space<vmem>>, vector<1x1x16xf32>,
        %swap3A_397 = vector.shape_cast %swap3A_396 : vector<1x1x16xf32> to vector<16xf32>
        %swap3A_398 = vector.shape_cast %mul3A_391 : vector<16xf32> to vector<1x1x16xf32>
        tpu.vector_store %arg7[%swap3A_393, %swap3A_394, %swap3A_395], %swap3A_398 {strides = array<i32>} : memref<4x128x64xf32, #tpu.memory_space<vmem>>, vector<1x1x16xf32>,
        %get3A_399 = arith.constant 0 : i32
        %get3A_400 = arith.index_cast %get3A_399 : i32 to index
        %get3A_401 = arith.index_cast %scan3A_352 : i32 to index
        %get3A_402 = arith.constant 48 : index
        %get3A_403 = tpu.vector_load %arg6[%get3A_400, %get3A_401, %get3A_402] {strides = array<i32>} : memref<4x128x64xf32, #tpu.memory_space<vmem>>, vector<1x1x16xf32>,
        %get3A_404 = vector.shape_cast %get3A_403 : vector<1x1x16xf32> to vector<16xf32>
        %mul3A_405 = arith.constant 8.000000e+00 : f32
        %mul3A_406 = vector.broadcast %mul3A_405 : f32 to vector<16xf32>
        %mul3A_407 = arith.mulf %get3A_404, %mul3A_406 : vector<16xf32>
        %swap3A_408 = arith.constant 0 : i32
        %swap3A_409 = arith.index_cast %swap3A_408 : i32 to index
        %swap3A_410 = arith.index_cast %scan3A_352 : i32 to index
        %swap3A_411 = arith.constant 48 : index
        %swap3A_412 = tpu.vector_load %arg7[%swap3A_409, %swap3A_410, %swap3A_411] {strides = array<i32>} : memref<4x128x64xf32, #tpu.memory_space<vmem>>, vector<1x1x16xf32>,
        %swap3A_413 = vector.shape_cast %swap3A_412 : vector<1x1x16xf32> to vector<16xf32>
        %swap3A_414 = vector.shape_cast %mul3A_407 : vector<16xf32> to vector<1x1x16xf32>
        tpu.vector_store %arg7[%swap3A_409, %swap3A_410, %swap3A_411], %swap3A_414 {strides = array<i32>} : memref<4x128x64xf32, #tpu.memory_space<vmem>>, vector<1x1x16xf32>,
      }
      %scan3A_167 = arith.constant 128 : i32
      %add3A_168 = arith.constant 4 : i32
      %add3A_169 = arith.addi %add3A_145, %add3A_168 : i32
      %lt3A = arith.constant 200 : i32
      %lt3A_170 = arith.cmpi slt, %add3A_169, %lt3A : i32
      %convert_element_type3A_171 = arith.extui %lt3A_170 : i1 to i32
      %cond3A_172 = arith.constant 0 : i32
      %cond3A_173 = arith.cmpi ne, %convert_element_type3A_171, %cond3A_172 : i32
      scf.if %cond3A_173 {
        %add3A_352 = arith.constant 4 : i32
        %add3A_353 = arith.addi %add3A_145, %add3A_352 : i32
        %dma_start3A_354 = arith.constant 0 : i32
        %dma_start3A_355 = arith.constant 0 : i32
        %dma_start3A_356 = arith.constant 0 : i32
        %dma_start3A_357 = arith.constant 0 : i32
        %dma_start3A_358 = tpu.memref_slice %arg6[%dma_start3A_354, %dma_start3A_356, %dma_start3A_357] : memref<4x128x64xf32, #tpu.memory_space<vmem>> -> memref<1x128x64xf32, #tpu.memory_space<vmem>>
        %dma_start3A_359 = tpu.memref_squeeze %dma_start3A_358 : memref<1x128x64xf32, #tpu.memory_space<vmem>> -> memref<128x64xf32, #tpu.memory_space<vmem>>
        %dma_start3A_360 = arith.constant 0 : i32
        %dma_start3A_361 = tpu.memref_slice %arg5[%add3A_353, %dma_start3A_360] : memref<200x128xi32, #tpu.memory_space<vmem>> -> memref<1x128xi32, #tpu.memory_space<vmem>>
        %dma_start3A_362 = tpu.memref_squeeze %dma_start3A_361 : memref<1x128xi32, #tpu.memory_space<vmem>> -> memref<128xi32, #tpu.memory_space<vmem>>
        %dma_start3A_363 = arith.constant 0 : i32
        %dma_start3A_364 = arith.constant 0 : i32
        %dma_start3A_365 = tpu.memref_slice %arg3[%dma_start3A_363, %dma_start3A_364] : memref<1000000x64xf32, #tpu.memory_space<hbm>> -> memref<1000000x64xf32, #tpu.memory_space<hbm>>
        %dma_start3A_366 = tpu.memref_slice %arg8[%dma_start3A_355] : memref<4x!tpu.dma_semaphore, #tpu.memory_space<semaphore_mem>> -> memref<1x!tpu.dma_semaphore, #tpu.memory_space<semaphore_mem>>
        %dma_start3A_367 = tpu.memref_squeeze %dma_start3A_366 : memref<1x!tpu.dma_semaphore, #tpu.memory_space<semaphore_mem>> -> memref<!tpu.dma_semaphore, #tpu.memory_space<semaphore_mem>>
        tpu.enqueue_indirect_dma source(%dma_start3A_365 : memref<1000000x64xf32, #tpu.memory_space<hbm>>) target(%dma_start3A_359 : memref<128x64xf32, #tpu.memory_space<vmem>>) offsets(%dma_start3A_362 : memref<128xi32, #tpu.memory_space<vmem>>) semaphore(%dma_start3A_367 : memref<!tpu.dma_semaphore, #tpu.memory_space<semaphore_mem>>)
      } else {
      }
      %mul3A_174 = arith.constant 128 : i32
      %mul3A_175 = arith.muli %add3A_145, %mul3A_174 : i32
      %add3A_176 = arith.addi %mul3A_2, %mul3A_175 : i32
      %dma_start3A_177 = arith.constant 0 : i32
      %dma_start3A_178 = arith.constant 0 : i32
      %dma_start3A_179 = arith.constant 0 : i32
      %dma_start3A_180 = arith.constant 0 : i32
      %dma_start3A_181 = tpu.memref_slice %arg7[%dma_start3A_177, %dma_start3A_179, %dma_start3A_180] : memref<4x128x64xf32, #tpu.memory_space<vmem>> -> memref<1x128x64xf32, #tpu.memory_space<vmem>>
      %dma_start3A_182 = tpu.memref_squeeze %dma_start3A_181 : memref<1x128x64xf32, #tpu.memory_space<vmem>> -> memref<128x64xf32, #tpu.memory_space<vmem>>
      %dma_start3A_183 = arith.constant 0 : i32
      %dma_start3A_184 = tpu.memref_slice %arg4[%add3A_176, %dma_start3A_183] : memref<819200x64xf32, #tpu.memory_space<hbm>> -> memref<128x64xf32, #tpu.memory_space<hbm>>
      %dma_start3A_185 = tpu.memref_slice %arg9[%dma_start3A_178] : memref<4x!tpu.dma_semaphore, #tpu.memory_space<semaphore_mem>> -> memref<1x!tpu.dma_semaphore, #tpu.memory_space<semaphore_mem>>
      %dma_start3A_186 = tpu.memref_squeeze %dma_start3A_185 : memref<1x!tpu.dma_semaphore, #tpu.memory_space<semaphore_mem>> -> memref<!tpu.dma_semaphore, #tpu.memory_space<semaphore_mem>>
      %dma_start3A_187 = arith.constant 0 : i32
      %dma_start3A_188 = tpu.memref_slice %arg4[%add3A_176, %dma_start3A_187] : memref<819200x64xf32, #tpu.memory_space<hbm>> -> memref<128x64xf32, #tpu.memory_space<hbm>>
      %dma_start3A_189 = arith.constant 0 : i32
      %dma_start3A_190 = arith.constant 0 : i32
      %dma_start3A_191 = tpu.memref_slice %arg7[%dma_start3A_177, %dma_start3A_189, %dma_start3A_190] : memref<4x128x64xf32, #tpu.memory_space<vmem>> -> memref<1x128x64xf32, #tpu.memory_space<vmem>>
      %dma_start3A_192 = tpu.memref_squeeze %dma_start3A_191 : memref<1x128x64xf32, #tpu.memory_space<vmem>> -> memref<128x64xf32, #tpu.memory_space<vmem>>
      tpu.enqueue_dma source(%dma_start3A_192 : memref<128x64xf32, #tpu.memory_space<vmem>>) target(%dma_start3A_188 : memref<128x64xf32, #tpu.memory_space<hbm>>) target_semaphore(%dma_start3A_186 : memref<!tpu.dma_semaphore, #tpu.memory_space<semaphore_mem>>)
      %add3A_193 = arith.constant 1 : i32
      %add3A_194 = arith.addi %add3A_143, %add3A_193 : i32
      %dma_wait3A_195 = arith.constant 1 : i32
      %dma_wait3A_196 = arith.constant 1 : i32
      %dma_wait3A_197 = arith.constant 0 : i32
      %dma_wait3A_198 = arith.constant 0 : i32
      %dma_wait3A_199 = tpu.memref_slice %arg6[%dma_wait3A_195, %dma_wait3A_197, %dma_wait3A_198] : memref<4x128x64xf32, #tpu.memory_space<vmem>> -> memref<1x128x64xf32, #tpu.memory_space<vmem>>
      %dma_wait3A_200 = tpu.memref_squeeze %dma_wait3A_199 : memref<1x128x64xf32, #tpu.memory_space<vmem>> -> memref<128x64xf32, #tpu.memory_space<vmem>>
      %dma_wait3A_201 = arith.constant 0 : i32
      %dma_wait3A_202 = tpu.memref_slice %arg5[%add3A_194, %dma_wait3A_201] : memref<200x128xi32, #tpu.memory_space<vmem>> -> memref<1x128xi32, #tpu.memory_space<vmem>>
      %dma_wait3A_203 = tpu.memref_squeeze %dma_wait3A_202 : memref<1x128xi32, #tpu.memory_space<vmem>> -> memref<128xi32, #tpu.memory_space<vmem>>
      %dma_wait3A_204 = arith.constant 0 : i32
      %dma_wait3A_205 = arith.constant 0 : i32
      %dma_wait3A_206 = tpu.memref_slice %arg3[%dma_wait3A_204, %dma_wait3A_205] : memref<1000000x64xf32, #tpu.memory_space<hbm>> -> memref<1000000x64xf32, #tpu.memory_space<hbm>>
      %dma_wait3A_207 = tpu.memref_slice %arg8[%dma_wait3A_196] : memref<4x!tpu.dma_semaphore, #tpu.memory_space<semaphore_mem>> -> memref<1x!tpu.dma_semaphore, #tpu.memory_space<semaphore_mem>>
      %dma_wait3A_208 = tpu.memref_squeeze %dma_wait3A_207 : memref<1x!tpu.dma_semaphore, #tpu.memory_space<semaphore_mem>> -> memref<!tpu.dma_semaphore, #tpu.memory_space<semaphore_mem>>
      tpu.wait_indirect_dma semaphore(%dma_wait3A_208 : memref<!tpu.dma_semaphore, #tpu.memory_space<semaphore_mem>>) src(%dma_wait3A_206 : memref<1000000x64xf32, #tpu.memory_space<hbm>>) dst(%dma_wait3A_200 : memref<128x64xf32, #tpu.memory_space<vmem>>)
      %ge3A_209 = arith.constant 4 : i32
      %ge3A_210 = arith.cmpi sge, %add3A_194, %ge3A_209 : i32
      %convert_element_type3A_211 = arith.extui %ge3A_210 : i1 to i32
      %cond3A_212 = arith.constant 0 : i32
      %cond3A_213 = arith.cmpi ne, %convert_element_type3A_211, %cond3A_212 : i32
      scf.if %cond3A_213 {
        %sub3A = arith.constant 4 : i32
        %sub3A_352 = arith.subi %add3A_194, %sub3A : i32
        %mul3A_353 = arith.constant 128 : i32
        %mul3A_354 = arith.muli %sub3A_352, %mul3A_353 : i32
        %add3A_355 = arith.addi %mul3A_2, %mul3A_354 : i32
        %dma_wait3A_356 = arith.constant 1 : i32
        %dma_wait3A_357 = arith.constant 1 : i32
        %dma_wait3A_358 = arith.constant 0 : i32
        %dma_wait3A_359 = arith.constant 0 : i32
        %dma_wait3A_360 = tpu.memref_slice %arg7[%dma_wait3A_356, %dma_wait3A_358, %dma_wait3A_359] : memref<4x128x64xf32, #tpu.memory_space<vmem>> -> memref<1x128x64xf32, #tpu.memory_space<vmem>>
        %dma_wait3A_361 = tpu.memref_squeeze %dma_wait3A_360 : memref<1x128x64xf32, #tpu.memory_space<vmem>> -> memref<128x64xf32, #tpu.memory_space<vmem>>
        %dma_wait3A_362 = arith.constant 0 : i32
        %dma_wait3A_363 = tpu.memref_slice %arg4[%add3A_355, %dma_wait3A_362] : memref<819200x64xf32, #tpu.memory_space<hbm>> -> memref<128x64xf32, #tpu.memory_space<hbm>>
        %dma_wait3A_364 = tpu.memref_slice %arg9[%dma_wait3A_357] : memref<4x!tpu.dma_semaphore, #tpu.memory_space<semaphore_mem>> -> memref<1x!tpu.dma_semaphore, #tpu.memory_space<semaphore_mem>>
        %dma_wait3A_365 = tpu.memref_squeeze %dma_wait3A_364 : memref<1x!tpu.dma_semaphore, #tpu.memory_space<semaphore_mem>> -> memref<!tpu.dma_semaphore, #tpu.memory_space<semaphore_mem>>
        %dma_wait3A_366 = arith.constant 0 : i32
        %dma_wait3A_367 = tpu.memref_slice %arg4[%add3A_355, %dma_wait3A_366] : memref<819200x64xf32, #tpu.memory_space<hbm>> -> memref<128x64xf32, #tpu.memory_space<hbm>>
        %dma_wait3A_368 = arith.constant 0 : i32
        %dma_wait3A_369 = arith.constant 0 : i32
        %dma_wait3A_370 = tpu.memref_slice %arg7[%dma_wait3A_356, %dma_wait3A_368, %dma_wait3A_369] : memref<4x128x64xf32, #tpu.memory_space<vmem>> -> memref<1x128x64xf32, #tpu.memory_space<vmem>>
        %dma_wait3A_371 = tpu.memref_squeeze %dma_wait3A_370 : memref<1x128x64xf32, #tpu.memory_space<vmem>> -> memref<128x64xf32, #tpu.memory_space<vmem>>
        tpu.wait_dma2 semaphore(%dma_wait3A_365 : memref<!tpu.dma_semaphore, #tpu.memory_space<semaphore_mem>>) src(%dma_wait3A_371 : memref<128x64xf32, #tpu.memory_space<vmem>>) dst(%dma_wait3A_367 : memref<128x64xf32, #tpu.memory_space<hbm>>)
      } else {
      }
      %scan3A_214 = arith.constant 0 : i32
      %scan3A_215 = arith.constant 0 : i32
      %scan3A_216 = arith.constant 128 : i32
      %scan3A_217 = arith.addi %scan3A_215, %scan3A_216 : i32
      %scan3A_218 = arith.constant 1 : i32
      scf.for %scan3A_352 = %scan3A_215 to %scan3A_217 step %scan3A_218  : i32 {
        %get3A = arith.constant 1 : i32
        %get3A_353 = arith.index_cast %get3A : i32 to index
        %get3A_354 = arith.index_cast %scan3A_352 : i32 to index
        %get3A_355 = arith.constant 0 : index
        %get3A_356 = tpu.vector_load %arg6[%get3A_353, %get3A_354, %get3A_355] {strides = array<i32>} : memref<4x128x64xf32, #tpu.memory_space<vmem>>, vector<1x1x16xf32>,
        %get3A_357 = vector.shape_cast %get3A_356 : vector<1x1x16xf32> to vector<16xf32>
        %mul3A_358 = arith.constant 8.000000e+00 : f32
        %mul3A_359 = vector.broadcast %mul3A_358 : f32 to vector<16xf32>
        %mul3A_360 = arith.mulf %get3A_357, %mul3A_359 : vector<16xf32>
        %swap3A = arith.constant 1 : i32
        %swap3A_361 = arith.index_cast %swap3A : i32 to index
        %swap3A_362 = arith.index_cast %scan3A_352 : i32 to index
        %swap3A_363 = arith.constant 0 : index
        %swap3A_364 = tpu.vector_load %arg7[%swap3A_361, %swap3A_362, %swap3A_363] {strides = array<i32>} : memref<4x128x64xf32, #tpu.memory_space<vmem>>, vector<1x1x16xf32>,
        %swap3A_365 = vector.shape_cast %swap3A_364 : vector<1x1x16xf32> to vector<16xf32>
        %swap3A_366 = vector.shape_cast %mul3A_360 : vector<16xf32> to vector<1x1x16xf32>
        tpu.vector_store %arg7[%swap3A_361, %swap3A_362, %swap3A_363], %swap3A_366 {strides = array<i32>} : memref<4x128x64xf32, #tpu.memory_space<vmem>>, vector<1x1x16xf32>,
        %get3A_367 = arith.constant 1 : i32
        %get3A_368 = arith.index_cast %get3A_367 : i32 to index
        %get3A_369 = arith.index_cast %scan3A_352 : i32 to index
        %get3A_370 = arith.constant 16 : index
        %get3A_371 = tpu.vector_load %arg6[%get3A_368, %get3A_369, %get3A_370] {strides = array<i32>} : memref<4x128x64xf32, #tpu.memory_space<vmem>>, vector<1x1x16xf32>,
        %get3A_372 = vector.shape_cast %get3A_371 : vector<1x1x16xf32> to vector<16xf32>
        %mul3A_373 = arith.constant 8.000000e+00 : f32
        %mul3A_374 = vector.broadcast %mul3A_373 : f32 to vector<16xf32>
        %mul3A_375 = arith.mulf %get3A_372, %mul3A_374 : vector<16xf32>
        %swap3A_376 = arith.constant 1 : i32
        %swap3A_377 = arith.index_cast %swap3A_376 : i32 to index
        %swap3A_378 = arith.index_cast %scan3A_352 : i32 to index
        %swap3A_379 = arith.constant 16 : index
        %swap3A_380 = tpu.vector_load %arg7[%swap3A_377, %swap3A_378, %swap3A_379] {strides = array<i32>} : memref<4x128x64xf32, #tpu.memory_space<vmem>>, vector<1x1x16xf32>,
        %swap3A_381 = vector.shape_cast %swap3A_380 : vector<1x1x16xf32> to vector<16xf32>
        %swap3A_382 = vector.shape_cast %mul3A_375 : vector<16xf32> to vector<1x1x16xf32>
        tpu.vector_store %arg7[%swap3A_377, %swap3A_378, %swap3A_379], %swap3A_382 {strides = array<i32>} : memref<4x128x64xf32, #tpu.memory_space<vmem>>, vector<1x1x16xf32>,
        %get3A_383 = arith.constant 1 : i32
        %get3A_384 = arith.index_cast %get3A_383 : i32 to index
        %get3A_385 = arith.index_cast %scan3A_352 : i32 to index
        %get3A_386 = arith.constant 32 : index
        %get3A_387 = tpu.vector_load %arg6[%get3A_384, %get3A_385, %get3A_386] {strides = array<i32>} : memref<4x128x64xf32, #tpu.memory_space<vmem>>, vector<1x1x16xf32>,
        %get3A_388 = vector.shape_cast %get3A_387 : vector<1x1x16xf32> to vector<16xf32>
        %mul3A_389 = arith.constant 8.000000e+00 : f32
        %mul3A_390 = vector.broadcast %mul3A_389 : f32 to vector<16xf32>
        %mul3A_391 = arith.mulf %get3A_388, %mul3A_390 : vector<16xf32>
        %swap3A_392 = arith.constant 1 : i32
        %swap3A_393 = arith.index_cast %swap3A_392 : i32 to index
        %swap3A_394 = arith.index_cast %scan3A_352 : i32 to index
        %swap3A_395 = arith.constant 32 : index
        %swap3A_396 = tpu.vector_load %arg7[%swap3A_393, %swap3A_394, %swap3A_395] {strides = array<i32>} : memref<4x128x64xf32, #tpu.memory_space<vmem>>, vector<1x1x16xf32>,
        %swap3A_397 = vector.shape_cast %swap3A_396 : vector<1x1x16xf32> to vector<16xf32>
        %swap3A_398 = vector.shape_cast %mul3A_391 : vector<16xf32> to vector<1x1x16xf32>
        tpu.vector_store %arg7[%swap3A_393, %swap3A_394, %swap3A_395], %swap3A_398 {strides = array<i32>} : memref<4x128x64xf32, #tpu.memory_space<vmem>>, vector<1x1x16xf32>,
        %get3A_399 = arith.constant 1 : i32
        %get3A_400 = arith.index_cast %get3A_399 : i32 to index
        %get3A_401 = arith.index_cast %scan3A_352 : i32 to index
        %get3A_402 = arith.constant 48 : index
        %get3A_403 = tpu.vector_load %arg6[%get3A_400, %get3A_401, %get3A_402] {strides = array<i32>} : memref<4x128x64xf32, #tpu.memory_space<vmem>>, vector<1x1x16xf32>,
        %get3A_404 = vector.shape_cast %get3A_403 : vector<1x1x16xf32> to vector<16xf32>
        %mul3A_405 = arith.constant 8.000000e+00 : f32
        %mul3A_406 = vector.broadcast %mul3A_405 : f32 to vector<16xf32>
        %mul3A_407 = arith.mulf %get3A_404, %mul3A_406 : vector<16xf32>
        %swap3A_408 = arith.constant 1 : i32
        %swap3A_409 = arith.index_cast %swap3A_408 : i32 to index
        %swap3A_410 = arith.index_cast %scan3A_352 : i32 to index
        %swap3A_411 = arith.constant 48 : index
        %swap3A_412 = tpu.vector_load %arg7[%swap3A_409, %swap3A_410, %swap3A_411] {strides = array<i32>} : memref<4x128x64xf32, #tpu.memory_space<vmem>>, vector<1x1x16xf32>,
        %swap3A_413 = vector.shape_cast %swap3A_412 : vector<1x1x16xf32> to vector<16xf32>
        %swap3A_414 = vector.shape_cast %mul3A_407 : vector<16xf32> to vector<1x1x16xf32>
        tpu.vector_store %arg7[%swap3A_409, %swap3A_410, %swap3A_411], %swap3A_414 {strides = array<i32>} : memref<4x128x64xf32, #tpu.memory_space<vmem>>, vector<1x1x16xf32>,
      }
      %scan3A_219 = arith.constant 128 : i32
      %add3A_220 = arith.constant 4 : i32
      %add3A_221 = arith.addi %add3A_194, %add3A_220 : i32
      %lt3A_222 = arith.constant 200 : i32
      %lt3A_223 = arith.cmpi slt, %add3A_221, %lt3A_222 : i32
      %convert_element_type3A_224 = arith.extui %lt3A_223 : i1 to i32
      %cond3A_225 = arith.constant 0 : i32
      %cond3A_226 = arith.cmpi ne, %convert_element_type3A_224, %cond3A_225 : i32
      scf.if %cond3A_226 {
        %add3A_352 = arith.constant 4 : i32
        %add3A_353 = arith.addi %add3A_194, %add3A_352 : i32
        %dma_start3A_354 = arith.constant 1 : i32
        %dma_start3A_355 = arith.constant 1 : i32
        %dma_start3A_356 = arith.constant 0 : i32
        %dma_start3A_357 = arith.constant 0 : i32
        %dma_start3A_358 = tpu.memref_slice %arg6[%dma_start3A_354, %dma_start3A_356, %dma_start3A_357] : memref<4x128x64xf32, #tpu.memory_space<vmem>> -> memref<1x128x64xf32, #tpu.memory_space<vmem>>
        %dma_start3A_359 = tpu.memref_squeeze %dma_start3A_358 : memref<1x128x64xf32, #tpu.memory_space<vmem>> -> memref<128x64xf32, #tpu.memory_space<vmem>>
        %dma_start3A_360 = arith.constant 0 : i32
        %dma_start3A_361 = tpu.memref_slice %arg5[%add3A_353, %dma_start3A_360] : memref<200x128xi32, #tpu.memory_space<vmem>> -> memref<1x128xi32, #tpu.memory_space<vmem>>
        %dma_start3A_362 = tpu.memref_squeeze %dma_start3A_361 : memref<1x128xi32, #tpu.memory_space<vmem>> -> memref<128xi32, #tpu.memory_space<vmem>>
        %dma_start3A_363 = arith.constant 0 : i32
        %dma_start3A_364 = arith.constant 0 : i32
        %dma_start3A_365 = tpu.memref_slice %arg3[%dma_start3A_363, %dma_start3A_364] : memref<1000000x64xf32, #tpu.memory_space<hbm>> -> memref<1000000x64xf32, #tpu.memory_space<hbm>>
        %dma_start3A_366 = tpu.memref_slice %arg8[%dma_start3A_355] : memref<4x!tpu.dma_semaphore, #tpu.memory_space<semaphore_mem>> -> memref<1x!tpu.dma_semaphore, #tpu.memory_space<semaphore_mem>>
        %dma_start3A_367 = tpu.memref_squeeze %dma_start3A_366 : memref<1x!tpu.dma_semaphore, #tpu.memory_space<semaphore_mem>> -> memref<!tpu.dma_semaphore, #tpu.memory_space<semaphore_mem>>
        tpu.enqueue_indirect_dma source(%dma_start3A_365 : memref<1000000x64xf32, #tpu.memory_space<hbm>>) target(%dma_start3A_359 : memref<128x64xf32, #tpu.memory_space<vmem>>) offsets(%dma_start3A_362 : memref<128xi32, #tpu.memory_space<vmem>>) semaphore(%dma_start3A_367 : memref<!tpu.dma_semaphore, #tpu.memory_space<semaphore_mem>>)
      } else {
      }
      %mul3A_227 = arith.constant 128 : i32
      %mul3A_228 = arith.muli %add3A_194, %mul3A_227 : i32
      %add3A_229 = arith.addi %mul3A_2, %mul3A_228 : i32
      %dma_start3A_230 = arith.constant 1 : i32
      %dma_start3A_231 = arith.constant 1 : i32
      %dma_start3A_232 = arith.constant 0 : i32
      %dma_start3A_233 = arith.constant 0 : i32
      %dma_start3A_234 = tpu.memref_slice %arg7[%dma_start3A_230, %dma_start3A_232, %dma_start3A_233] : memref<4x128x64xf32, #tpu.memory_space<vmem>> -> memref<1x128x64xf32, #tpu.memory_space<vmem>>
      %dma_start3A_235 = tpu.memref_squeeze %dma_start3A_234 : memref<1x128x64xf32, #tpu.memory_space<vmem>> -> memref<128x64xf32, #tpu.memory_space<vmem>>
      %dma_start3A_236 = arith.constant 0 : i32
      %dma_start3A_237 = tpu.memref_slice %arg4[%add3A_229, %dma_start3A_236] : memref<819200x64xf32, #tpu.memory_space<hbm>> -> memref<128x64xf32, #tpu.memory_space<hbm>>
      %dma_start3A_238 = tpu.memref_slice %arg9[%dma_start3A_231] : memref<4x!tpu.dma_semaphore, #tpu.memory_space<semaphore_mem>> -> memref<1x!tpu.dma_semaphore, #tpu.memory_space<semaphore_mem>>
      %dma_start3A_239 = tpu.memref_squeeze %dma_start3A_238 : memref<1x!tpu.dma_semaphore, #tpu.memory_space<semaphore_mem>> -> memref<!tpu.dma_semaphore, #tpu.memory_space<semaphore_mem>>
      %dma_start3A_240 = arith.constant 0 : i32
      %dma_start3A_241 = tpu.memref_slice %arg4[%add3A_229, %dma_start3A_240] : memref<819200x64xf32, #tpu.memory_space<hbm>> -> memref<128x64xf32, #tpu.memory_space<hbm>>
      %dma_start3A_242 = arith.constant 0 : i32
      %dma_start3A_243 = arith.constant 0 : i32
      %dma_start3A_244 = tpu.memref_slice %arg7[%dma_start3A_230, %dma_start3A_242, %dma_start3A_243] : memref<4x128x64xf32, #tpu.memory_space<vmem>> -> memref<1x128x64xf32, #tpu.memory_space<vmem>>
      %dma_start3A_245 = tpu.memref_squeeze %dma_start3A_244 : memref<1x128x64xf32, #tpu.memory_space<vmem>> -> memref<128x64xf32, #tpu.memory_space<vmem>>
      tpu.enqueue_dma source(%dma_start3A_245 : memref<128x64xf32, #tpu.memory_space<vmem>>) target(%dma_start3A_241 : memref<128x64xf32, #tpu.memory_space<hbm>>) target_semaphore(%dma_start3A_239 : memref<!tpu.dma_semaphore, #tpu.memory_space<semaphore_mem>>)
      %add3A_246 = arith.constant 2 : i32
      %add3A_247 = arith.addi %add3A_143, %add3A_246 : i32
      %dma_wait3A_248 = arith.constant 2 : i32
      %dma_wait3A_249 = arith.constant 2 : i32
      %dma_wait3A_250 = arith.constant 0 : i32
      %dma_wait3A_251 = arith.constant 0 : i32
      %dma_wait3A_252 = tpu.memref_slice %arg6[%dma_wait3A_248, %dma_wait3A_250, %dma_wait3A_251] : memref<4x128x64xf32, #tpu.memory_space<vmem>> -> memref<1x128x64xf32, #tpu.memory_space<vmem>>
      %dma_wait3A_253 = tpu.memref_squeeze %dma_wait3A_252 : memref<1x128x64xf32, #tpu.memory_space<vmem>> -> memref<128x64xf32, #tpu.memory_space<vmem>>
      %dma_wait3A_254 = arith.constant 0 : i32
      %dma_wait3A_255 = tpu.memref_slice %arg5[%add3A_247, %dma_wait3A_254] : memref<200x128xi32, #tpu.memory_space<vmem>> -> memref<1x128xi32, #tpu.memory_space<vmem>>
      %dma_wait3A_256 = tpu.memref_squeeze %dma_wait3A_255 : memref<1x128xi32, #tpu.memory_space<vmem>> -> memref<128xi32, #tpu.memory_space<vmem>>
      %dma_wait3A_257 = arith.constant 0 : i32
      %dma_wait3A_258 = arith.constant 0 : i32
      %dma_wait3A_259 = tpu.memref_slice %arg3[%dma_wait3A_257, %dma_wait3A_258] : memref<1000000x64xf32, #tpu.memory_space<hbm>> -> memref<1000000x64xf32, #tpu.memory_space<hbm>>
      %dma_wait3A_260 = tpu.memref_slice %arg8[%dma_wait3A_249] : memref<4x!tpu.dma_semaphore, #tpu.memory_space<semaphore_mem>> -> memref<1x!tpu.dma_semaphore, #tpu.memory_space<semaphore_mem>>
      %dma_wait3A_261 = tpu.memref_squeeze %dma_wait3A_260 : memref<1x!tpu.dma_semaphore, #tpu.memory_space<semaphore_mem>> -> memref<!tpu.dma_semaphore, #tpu.memory_space<semaphore_mem>>
      tpu.wait_indirect_dma semaphore(%dma_wait3A_261 : memref<!tpu.dma_semaphore, #tpu.memory_space<semaphore_mem>>) src(%dma_wait3A_259 : memref<1000000x64xf32, #tpu.memory_space<hbm>>) dst(%dma_wait3A_253 : memref<128x64xf32, #tpu.memory_space<vmem>>)
      %ge3A_262 = arith.constant 4 : i32
      %ge3A_263 = arith.cmpi sge, %add3A_247, %ge3A_262 : i32
      %convert_element_type3A_264 = arith.extui %ge3A_263 : i1 to i32
      %cond3A_265 = arith.constant 0 : i32
      %cond3A_266 = arith.cmpi ne, %convert_element_type3A_264, %cond3A_265 : i32
      scf.if %cond3A_266 {
        %sub3A = arith.constant 4 : i32
        %sub3A_352 = arith.subi %add3A_247, %sub3A : i32
        %mul3A_353 = arith.constant 128 : i32
        %mul3A_354 = arith.muli %sub3A_352, %mul3A_353 : i32
        %add3A_355 = arith.addi %mul3A_2, %mul3A_354 : i32
        %dma_wait3A_356 = arith.constant 2 : i32
        %dma_wait3A_357 = arith.constant 2 : i32
        %dma_wait3A_358 = arith.constant 0 : i32
        %dma_wait3A_359 = arith.constant 0 : i32
        %dma_wait3A_360 = tpu.memref_slice %arg7[%dma_wait3A_356, %dma_wait3A_358, %dma_wait3A_359] : memref<4x128x64xf32, #tpu.memory_space<vmem>> -> memref<1x128x64xf32, #tpu.memory_space<vmem>>
        %dma_wait3A_361 = tpu.memref_squeeze %dma_wait3A_360 : memref<1x128x64xf32, #tpu.memory_space<vmem>> -> memref<128x64xf32, #tpu.memory_space<vmem>>
        %dma_wait3A_362 = arith.constant 0 : i32
        %dma_wait3A_363 = tpu.memref_slice %arg4[%add3A_355, %dma_wait3A_362] : memref<819200x64xf32, #tpu.memory_space<hbm>> -> memref<128x64xf32, #tpu.memory_space<hbm>>
        %dma_wait3A_364 = tpu.memref_slice %arg9[%dma_wait3A_357] : memref<4x!tpu.dma_semaphore, #tpu.memory_space<semaphore_mem>> -> memref<1x!tpu.dma_semaphore, #tpu.memory_space<semaphore_mem>>
        %dma_wait3A_365 = tpu.memref_squeeze %dma_wait3A_364 : memref<1x!tpu.dma_semaphore, #tpu.memory_space<semaphore_mem>> -> memref<!tpu.dma_semaphore, #tpu.memory_space<semaphore_mem>>
        %dma_wait3A_366 = arith.constant 0 : i32
        %dma_wait3A_367 = tpu.memref_slice %arg4[%add3A_355, %dma_wait3A_366] : memref<819200x64xf32, #tpu.memory_space<hbm>> -> memref<128x64xf32, #tpu.memory_space<hbm>>
        %dma_wait3A_368 = arith.constant 0 : i32
        %dma_wait3A_369 = arith.constant 0 : i32
        %dma_wait3A_370 = tpu.memref_slice %arg7[%dma_wait3A_356, %dma_wait3A_368, %dma_wait3A_369] : memref<4x128x64xf32, #tpu.memory_space<vmem>> -> memref<1x128x64xf32, #tpu.memory_space<vmem>>
        %dma_wait3A_371 = tpu.memref_squeeze %dma_wait3A_370 : memref<1x128x64xf32, #tpu.memory_space<vmem>> -> memref<128x64xf32, #tpu.memory_space<vmem>>
        tpu.wait_dma2 semaphore(%dma_wait3A_365 : memref<!tpu.dma_semaphore, #tpu.memory_space<semaphore_mem>>) src(%dma_wait3A_371 : memref<128x64xf32, #tpu.memory_space<vmem>>) dst(%dma_wait3A_367 : memref<128x64xf32, #tpu.memory_space<hbm>>)
      } else {
      }
      %scan3A_267 = arith.constant 0 : i32
      %scan3A_268 = arith.constant 0 : i32
      %scan3A_269 = arith.constant 128 : i32
      %scan3A_270 = arith.addi %scan3A_268, %scan3A_269 : i32
      %scan3A_271 = arith.constant 1 : i32
      scf.for %scan3A_352 = %scan3A_268 to %scan3A_270 step %scan3A_271  : i32 {
        %get3A = arith.constant 2 : i32
        %get3A_353 = arith.index_cast %get3A : i32 to index
        %get3A_354 = arith.index_cast %scan3A_352 : i32 to index
        %get3A_355 = arith.constant 0 : index
        %get3A_356 = tpu.vector_load %arg6[%get3A_353, %get3A_354, %get3A_355] {strides = array<i32>} : memref<4x128x64xf32, #tpu.memory_space<vmem>>, vector<1x1x16xf32>,
        %get3A_357 = vector.shape_cast %get3A_356 : vector<1x1x16xf32> to vector<16xf32>
        %mul3A_358 = arith.constant 8.000000e+00 : f32
        %mul3A_359 = vector.broadcast %mul3A_358 : f32 to vector<16xf32>
        %mul3A_360 = arith.mulf %get3A_357, %mul3A_359 : vector<16xf32>
        %swap3A = arith.constant 2 : i32
        %swap3A_361 = arith.index_cast %swap3A : i32 to index
        %swap3A_362 = arith.index_cast %scan3A_352 : i32 to index
        %swap3A_363 = arith.constant 0 : index
        %swap3A_364 = tpu.vector_load %arg7[%swap3A_361, %swap3A_362, %swap3A_363] {strides = array<i32>} : memref<4x128x64xf32, #tpu.memory_space<vmem>>, vector<1x1x16xf32>,
        %swap3A_365 = vector.shape_cast %swap3A_364 : vector<1x1x16xf32> to vector<16xf32>
        %swap3A_366 = vector.shape_cast %mul3A_360 : vector<16xf32> to vector<1x1x16xf32>
        tpu.vector_store %arg7[%swap3A_361, %swap3A_362, %swap3A_363], %swap3A_366 {strides = array<i32>} : memref<4x128x64xf32, #tpu.memory_space<vmem>>, vector<1x1x16xf32>,
        %get3A_367 = arith.constant 2 : i32
        %get3A_368 = arith.index_cast %get3A_367 : i32 to index
        %get3A_369 = arith.index_cast %scan3A_352 : i32 to index
        %get3A_370 = arith.constant 16 : index
        %get3A_371 = tpu.vector_load %arg6[%get3A_368, %get3A_369, %get3A_370] {strides = array<i32>} : memref<4x128x64xf32, #tpu.memory_space<vmem>>, vector<1x1x16xf32>,
        %get3A_372 = vector.shape_cast %get3A_371 : vector<1x1x16xf32> to vector<16xf32>
        %mul3A_373 = arith.constant 8.000000e+00 : f32
        %mul3A_374 = vector.broadcast %mul3A_373 : f32 to vector<16xf32>
        %mul3A_375 = arith.mulf %get3A_372, %mul3A_374 : vector<16xf32>
        %swap3A_376 = arith.constant 2 : i32
        %swap3A_377 = arith.index_cast %swap3A_376 : i32 to index
        %swap3A_378 = arith.index_cast %scan3A_352 : i32 to index
        %swap3A_379 = arith.constant 16 : index
        %swap3A_380 = tpu.vector_load %arg7[%swap3A_377, %swap3A_378, %swap3A_379] {strides = array<i32>} : memref<4x128x64xf32, #tpu.memory_space<vmem>>, vector<1x1x16xf32>,
        %swap3A_381 = vector.shape_cast %swap3A_380 : vector<1x1x16xf32> to vector<16xf32>
        %swap3A_382 = vector.shape_cast %mul3A_375 : vector<16xf32> to vector<1x1x16xf32>
        tpu.vector_store %arg7[%swap3A_377, %swap3A_378, %swap3A_379], %swap3A_382 {strides = array<i32>} : memref<4x128x64xf32, #tpu.memory_space<vmem>>, vector<1x1x16xf32>,
        %get3A_383 = arith.constant 2 : i32
        %get3A_384 = arith.index_cast %get3A_383 : i32 to index
        %get3A_385 = arith.index_cast %scan3A_352 : i32 to index
        %get3A_386 = arith.constant 32 : index
        %get3A_387 = tpu.vector_load %arg6[%get3A_384, %get3A_385, %get3A_386] {strides = array<i32>} : memref<4x128x64xf32, #tpu.memory_space<vmem>>, vector<1x1x16xf32>,
        %get3A_388 = vector.shape_cast %get3A_387 : vector<1x1x16xf32> to vector<16xf32>
        %mul3A_389 = arith.constant 8.000000e+00 : f32
        %mul3A_390 = vector.broadcast %mul3A_389 : f32 to vector<16xf32>
        %mul3A_391 = arith.mulf %get3A_388, %mul3A_390 : vector<16xf32>
        %swap3A_392 = arith.constant 2 : i32
        %swap3A_393 = arith.index_cast %swap3A_392 : i32 to index
        %swap3A_394 = arith.index_cast %scan3A_352 : i32 to index
        %swap3A_395 = arith.constant 32 : index
        %swap3A_396 = tpu.vector_load %arg7[%swap3A_393, %swap3A_394, %swap3A_395] {strides = array<i32>} : memref<4x128x64xf32, #tpu.memory_space<vmem>>, vector<1x1x16xf32>,
        %swap3A_397 = vector.shape_cast %swap3A_396 : vector<1x1x16xf32> to vector<16xf32>
        %swap3A_398 = vector.shape_cast %mul3A_391 : vector<16xf32> to vector<1x1x16xf32>
        tpu.vector_store %arg7[%swap3A_393, %swap3A_394, %swap3A_395], %swap3A_398 {strides = array<i32>} : memref<4x128x64xf32, #tpu.memory_space<vmem>>, vector<1x1x16xf32>,
        %get3A_399 = arith.constant 2 : i32
        %get3A_400 = arith.index_cast %get3A_399 : i32 to index
        %get3A_401 = arith.index_cast %scan3A_352 : i32 to index
        %get3A_402 = arith.constant 48 : index
        %get3A_403 = tpu.vector_load %arg6[%get3A_400, %get3A_401, %get3A_402] {strides = array<i32>} : memref<4x128x64xf32, #tpu.memory_space<vmem>>, vector<1x1x16xf32>,
        %get3A_404 = vector.shape_cast %get3A_403 : vector<1x1x16xf32> to vector<16xf32>
        %mul3A_405 = arith.constant 8.000000e+00 : f32
        %mul3A_406 = vector.broadcast %mul3A_405 : f32 to vector<16xf32>
        %mul3A_407 = arith.mulf %get3A_404, %mul3A_406 : vector<16xf32>
        %swap3A_408 = arith.constant 2 : i32
        %swap3A_409 = arith.index_cast %swap3A_408 : i32 to index
        %swap3A_410 = arith.index_cast %scan3A_352 : i32 to index
        %swap3A_411 = arith.constant 48 : index
        %swap3A_412 = tpu.vector_load %arg7[%swap3A_409, %swap3A_410, %swap3A_411] {strides = array<i32>} : memref<4x128x64xf32, #tpu.memory_space<vmem>>, vector<1x1x16xf32>,
        %swap3A_413 = vector.shape_cast %swap3A_412 : vector<1x1x16xf32> to vector<16xf32>
        %swap3A_414 = vector.shape_cast %mul3A_407 : vector<16xf32> to vector<1x1x16xf32>
        tpu.vector_store %arg7[%swap3A_409, %swap3A_410, %swap3A_411], %swap3A_414 {strides = array<i32>} : memref<4x128x64xf32, #tpu.memory_space<vmem>>, vector<1x1x16xf32>,
      }
      %scan3A_272 = arith.constant 128 : i32
      %add3A_273 = arith.constant 4 : i32
      %add3A_274 = arith.addi %add3A_247, %add3A_273 : i32
      %lt3A_275 = arith.constant 200 : i32
      %lt3A_276 = arith.cmpi slt, %add3A_274, %lt3A_275 : i32
      %convert_element_type3A_277 = arith.extui %lt3A_276 : i1 to i32
      %cond3A_278 = arith.constant 0 : i32
      %cond3A_279 = arith.cmpi ne, %convert_element_type3A_277, %cond3A_278 : i32
      scf.if %cond3A_279 {
        %add3A_352 = arith.constant 4 : i32
        %add3A_353 = arith.addi %add3A_247, %add3A_352 : i32
        %dma_start3A_354 = arith.constant 2 : i32
        %dma_start3A_355 = arith.constant 2 : i32
        %dma_start3A_356 = arith.constant 0 : i32
        %dma_start3A_357 = arith.constant 0 : i32
        %dma_start3A_358 = tpu.memref_slice %arg6[%dma_start3A_354, %dma_start3A_356, %dma_start3A_357] : memref<4x128x64xf32, #tpu.memory_space<vmem>> -> memref<1x128x64xf32, #tpu.memory_space<vmem>>
        %dma_start3A_359 = tpu.memref_squeeze %dma_start3A_358 : memref<1x128x64xf32, #tpu.memory_space<vmem>> -> memref<128x64xf32, #tpu.memory_space<vmem>>
        %dma_start3A_360 = arith.constant 0 : i32
        %dma_start3A_361 = tpu.memref_slice %arg5[%add3A_353, %dma_start3A_360] : memref<200x128xi32, #tpu.memory_space<vmem>> -> memref<1x128xi32, #tpu.memory_space<vmem>>
        %dma_start3A_362 = tpu.memref_squeeze %dma_start3A_361 : memref<1x128xi32, #tpu.memory_space<vmem>> -> memref<128xi32, #tpu.memory_space<vmem>>
        %dma_start3A_363 = arith.constant 0 : i32
        %dma_start3A_364 = arith.constant 0 : i32
        %dma_start3A_365 = tpu.memref_slice %arg3[%dma_start3A_363, %dma_start3A_364] : memref<1000000x64xf32, #tpu.memory_space<hbm>> -> memref<1000000x64xf32, #tpu.memory_space<hbm>>
        %dma_start3A_366 = tpu.memref_slice %arg8[%dma_start3A_355] : memref<4x!tpu.dma_semaphore, #tpu.memory_space<semaphore_mem>> -> memref<1x!tpu.dma_semaphore, #tpu.memory_space<semaphore_mem>>
        %dma_start3A_367 = tpu.memref_squeeze %dma_start3A_366 : memref<1x!tpu.dma_semaphore, #tpu.memory_space<semaphore_mem>> -> memref<!tpu.dma_semaphore, #tpu.memory_space<semaphore_mem>>
        tpu.enqueue_indirect_dma source(%dma_start3A_365 : memref<1000000x64xf32, #tpu.memory_space<hbm>>) target(%dma_start3A_359 : memref<128x64xf32, #tpu.memory_space<vmem>>) offsets(%dma_start3A_362 : memref<128xi32, #tpu.memory_space<vmem>>) semaphore(%dma_start3A_367 : memref<!tpu.dma_semaphore, #tpu.memory_space<semaphore_mem>>)
      } else {
      }
      %mul3A_280 = arith.constant 128 : i32
      %mul3A_281 = arith.muli %add3A_247, %mul3A_280 : i32
      %add3A_282 = arith.addi %mul3A_2, %mul3A_281 : i32
      %dma_start3A_283 = arith.constant 2 : i32
      %dma_start3A_284 = arith.constant 2 : i32
      %dma_start3A_285 = arith.constant 0 : i32
      %dma_start3A_286 = arith.constant 0 : i32
      %dma_start3A_287 = tpu.memref_slice %arg7[%dma_start3A_283, %dma_start3A_285, %dma_start3A_286] : memref<4x128x64xf32, #tpu.memory_space<vmem>> -> memref<1x128x64xf32, #tpu.memory_space<vmem>>
      %dma_start3A_288 = tpu.memref_squeeze %dma_start3A_287 : memref<1x128x64xf32, #tpu.memory_space<vmem>> -> memref<128x64xf32, #tpu.memory_space<vmem>>
      %dma_start3A_289 = arith.constant 0 : i32
      %dma_start3A_290 = tpu.memref_slice %arg4[%add3A_282, %dma_start3A_289] : memref<819200x64xf32, #tpu.memory_space<hbm>> -> memref<128x64xf32, #tpu.memory_space<hbm>>
      %dma_start3A_291 = tpu.memref_slice %arg9[%dma_start3A_284] : memref<4x!tpu.dma_semaphore, #tpu.memory_space<semaphore_mem>> -> memref<1x!tpu.dma_semaphore, #tpu.memory_space<semaphore_mem>>
      %dma_start3A_292 = tpu.memref_squeeze %dma_start3A_291 : memref<1x!tpu.dma_semaphore, #tpu.memory_space<semaphore_mem>> -> memref<!tpu.dma_semaphore, #tpu.memory_space<semaphore_mem>>
      %dma_start3A_293 = arith.constant 0 : i32
      %dma_start3A_294 = tpu.memref_slice %arg4[%add3A_282, %dma_start3A_293] : memref<819200x64xf32, #tpu.memory_space<hbm>> -> memref<128x64xf32, #tpu.memory_space<hbm>>
      %dma_start3A_295 = arith.constant 0 : i32
      %dma_start3A_296 = arith.constant 0 : i32
      %dma_start3A_297 = tpu.memref_slice %arg7[%dma_start3A_283, %dma_start3A_295, %dma_start3A_296] : memref<4x128x64xf32, #tpu.memory_space<vmem>> -> memref<1x128x64xf32, #tpu.memory_space<vmem>>
      %dma_start3A_298 = tpu.memref_squeeze %dma_start3A_297 : memref<1x128x64xf32, #tpu.memory_space<vmem>> -> memref<128x64xf32, #tpu.memory_space<vmem>>
      tpu.enqueue_dma source(%dma_start3A_298 : memref<128x64xf32, #tpu.memory_space<vmem>>) target(%dma_start3A_294 : memref<128x64xf32, #tpu.memory_space<hbm>>) target_semaphore(%dma_start3A_292 : memref<!tpu.dma_semaphore, #tpu.memory_space<semaphore_mem>>)
      %add3A_299 = arith.constant 3 : i32
      %add3A_300 = arith.addi %add3A_143, %add3A_299 : i32
      %dma_wait3A_301 = arith.constant 3 : i32
      %dma_wait3A_302 = arith.constant 3 : i32
      %dma_wait3A_303 = arith.constant 0 : i32
      %dma_wait3A_304 = arith.constant 0 : i32
      %dma_wait3A_305 = tpu.memref_slice %arg6[%dma_wait3A_301, %dma_wait3A_303, %dma_wait3A_304] : memref<4x128x64xf32, #tpu.memory_space<vmem>> -> memref<1x128x64xf32, #tpu.memory_space<vmem>>
      %dma_wait3A_306 = tpu.memref_squeeze %dma_wait3A_305 : memref<1x128x64xf32, #tpu.memory_space<vmem>> -> memref<128x64xf32, #tpu.memory_space<vmem>>
      %dma_wait3A_307 = arith.constant 0 : i32
      %dma_wait3A_308 = tpu.memref_slice %arg5[%add3A_300, %dma_wait3A_307] : memref<200x128xi32, #tpu.memory_space<vmem>> -> memref<1x128xi32, #tpu.memory_space<vmem>>
      %dma_wait3A_309 = tpu.memref_squeeze %dma_wait3A_308 : memref<1x128xi32, #tpu.memory_space<vmem>> -> memref<128xi32, #tpu.memory_space<vmem>>
      %dma_wait3A_310 = arith.constant 0 : i32
      %dma_wait3A_311 = arith.constant 0 : i32
      %dma_wait3A_312 = tpu.memref_slice %arg3[%dma_wait3A_310, %dma_wait3A_311] : memref<1000000x64xf32, #tpu.memory_space<hbm>> -> memref<1000000x64xf32, #tpu.memory_space<hbm>>
      %dma_wait3A_313 = tpu.memref_slice %arg8[%dma_wait3A_302] : memref<4x!tpu.dma_semaphore, #tpu.memory_space<semaphore_mem>> -> memref<1x!tpu.dma_semaphore, #tpu.memory_space<semaphore_mem>>
      %dma_wait3A_314 = tpu.memref_squeeze %dma_wait3A_313 : memref<1x!tpu.dma_semaphore, #tpu.memory_space<semaphore_mem>> -> memref<!tpu.dma_semaphore, #tpu.memory_space<semaphore_mem>>
      tpu.wait_indirect_dma semaphore(%dma_wait3A_314 : memref<!tpu.dma_semaphore, #tpu.memory_space<semaphore_mem>>) src(%dma_wait3A_312 : memref<1000000x64xf32, #tpu.memory_space<hbm>>) dst(%dma_wait3A_306 : memref<128x64xf32, #tpu.memory_space<vmem>>)
      %ge3A_315 = arith.constant 4 : i32
      %ge3A_316 = arith.cmpi sge, %add3A_300, %ge3A_315 : i32
      %convert_element_type3A_317 = arith.extui %ge3A_316 : i1 to i32
      %cond3A_318 = arith.constant 0 : i32
      %cond3A_319 = arith.cmpi ne, %convert_element_type3A_317, %cond3A_318 : i32
      scf.if %cond3A_319 {
        %sub3A = arith.constant 4 : i32
        %sub3A_352 = arith.subi %add3A_300, %sub3A : i32
        %mul3A_353 = arith.constant 128 : i32
        %mul3A_354 = arith.muli %sub3A_352, %mul3A_353 : i32
        %add3A_355 = arith.addi %mul3A_2, %mul3A_354 : i32
        %dma_wait3A_356 = arith.constant 3 : i32
        %dma_wait3A_357 = arith.constant 3 : i32
        %dma_wait3A_358 = arith.constant 0 : i32
        %dma_wait3A_359 = arith.constant 0 : i32
        %dma_wait3A_360 = tpu.memref_slice %arg7[%dma_wait3A_356, %dma_wait3A_358, %dma_wait3A_359] : memref<4x128x64xf32, #tpu.memory_space<vmem>> -> memref<1x128x64xf32, #tpu.memory_space<vmem>>
        %dma_wait3A_361 = tpu.memref_squeeze %dma_wait3A_360 : memref<1x128x64xf32, #tpu.memory_space<vmem>> -> memref<128x64xf32, #tpu.memory_space<vmem>>
        %dma_wait3A_362 = arith.constant 0 : i32
        %dma_wait3A_363 = tpu.memref_slice %arg4[%add3A_355, %dma_wait3A_362] : memref<819200x64xf32, #tpu.memory_space<hbm>> -> memref<128x64xf32, #tpu.memory_space<hbm>>
        %dma_wait3A_364 = tpu.memref_slice %arg9[%dma_wait3A_357] : memref<4x!tpu.dma_semaphore, #tpu.memory_space<semaphore_mem>> -> memref<1x!tpu.dma_semaphore, #tpu.memory_space<semaphore_mem>>
        %dma_wait3A_365 = tpu.memref_squeeze %dma_wait3A_364 : memref<1x!tpu.dma_semaphore, #tpu.memory_space<semaphore_mem>> -> memref<!tpu.dma_semaphore, #tpu.memory_space<semaphore_mem>>
        %dma_wait3A_366 = arith.constant 0 : i32
        %dma_wait3A_367 = tpu.memref_slice %arg4[%add3A_355, %dma_wait3A_366] : memref<819200x64xf32, #tpu.memory_space<hbm>> -> memref<128x64xf32, #tpu.memory_space<hbm>>
        %dma_wait3A_368 = arith.constant 0 : i32
        %dma_wait3A_369 = arith.constant 0 : i32
        %dma_wait3A_370 = tpu.memref_slice %arg7[%dma_wait3A_356, %dma_wait3A_368, %dma_wait3A_369] : memref<4x128x64xf32, #tpu.memory_space<vmem>> -> memref<1x128x64xf32, #tpu.memory_space<vmem>>
        %dma_wait3A_371 = tpu.memref_squeeze %dma_wait3A_370 : memref<1x128x64xf32, #tpu.memory_space<vmem>> -> memref<128x64xf32, #tpu.memory_space<vmem>>
        tpu.wait_dma2 semaphore(%dma_wait3A_365 : memref<!tpu.dma_semaphore, #tpu.memory_space<semaphore_mem>>) src(%dma_wait3A_371 : memref<128x64xf32, #tpu.memory_space<vmem>>) dst(%dma_wait3A_367 : memref<128x64xf32, #tpu.memory_space<hbm>>)
      } else {
      }
      %scan3A_320 = arith.constant 0 : i32
      %scan3A_321 = arith.constant 0 : i32
      %scan3A_322 = arith.constant 128 : i32
      %scan3A_323 = arith.addi %scan3A_321, %scan3A_322 : i32
      %scan3A_324 = arith.constant 1 : i32
      scf.for %scan3A_352 = %scan3A_321 to %scan3A_323 step %scan3A_324  : i32 {
        %get3A = arith.constant 3 : i32
        %get3A_353 = arith.index_cast %get3A : i32 to index
        %get3A_354 = arith.index_cast %scan3A_352 : i32 to index
        %get3A_355 = arith.constant 0 : index
        %get3A_356 = tpu.vector_load %arg6[%get3A_353, %get3A_354, %get3A_355] {strides = array<i32>} : memref<4x128x64xf32, #tpu.memory_space<vmem>>, vector<1x1x16xf32>,
        %get3A_357 = vector.shape_cast %get3A_356 : vector<1x1x16xf32> to vector<16xf32>
        %mul3A_358 = arith.constant 8.000000e+00 : f32
        %mul3A_359 = vector.broadcast %mul3A_358 : f32 to vector<16xf32>
        %mul3A_360 = arith.mulf %get3A_357, %mul3A_359 : vector<16xf32>
        %swap3A = arith.constant 3 : i32
        %swap3A_361 = arith.index_cast %swap3A : i32 to index
        %swap3A_362 = arith.index_cast %scan3A_352 : i32 to index
        %swap3A_363 = arith.constant 0 : index
        %swap3A_364 = tpu.vector_load %arg7[%swap3A_361, %swap3A_362, %swap3A_363] {strides = array<i32>} : memref<4x128x64xf32, #tpu.memory_space<vmem>>, vector<1x1x16xf32>,
        %swap3A_365 = vector.shape_cast %swap3A_364 : vector<1x1x16xf32> to vector<16xf32>
        %swap3A_366 = vector.shape_cast %mul3A_360 : vector<16xf32> to vector<1x1x16xf32>
        tpu.vector_store %arg7[%swap3A_361, %swap3A_362, %swap3A_363], %swap3A_366 {strides = array<i32>} : memref<4x128x64xf32, #tpu.memory_space<vmem>>, vector<1x1x16xf32>,
        %get3A_367 = arith.constant 3 : i32
        %get3A_368 = arith.index_cast %get3A_367 : i32 to index
        %get3A_369 = arith.index_cast %scan3A_352 : i32 to index
        %get3A_370 = arith.constant 16 : index
        %get3A_371 = tpu.vector_load %arg6[%get3A_368, %get3A_369, %get3A_370] {strides = array<i32>} : memref<4x128x64xf32, #tpu.memory_space<vmem>>, vector<1x1x16xf32>,
        %get3A_372 = vector.shape_cast %get3A_371 : vector<1x1x16xf32> to vector<16xf32>
        %mul3A_373 = arith.constant 8.000000e+00 : f32
        %mul3A_374 = vector.broadcast %mul3A_373 : f32 to vector<16xf32>
        %mul3A_375 = arith.mulf %get3A_372, %mul3A_374 : vector<16xf32>
        %swap3A_376 = arith.constant 3 : i32
        %swap3A_377 = arith.index_cast %swap3A_376 : i32 to index
        %swap3A_378 = arith.index_cast %scan3A_352 : i32 to index
        %swap3A_379 = arith.constant 16 : index
        %swap3A_380 = tpu.vector_load %arg7[%swap3A_377, %swap3A_378, %swap3A_379] {strides = array<i32>} : memref<4x128x64xf32, #tpu.memory_space<vmem>>, vector<1x1x16xf32>,
        %swap3A_381 = vector.shape_cast %swap3A_380 : vector<1x1x16xf32> to vector<16xf32>
        %swap3A_382 = vector.shape_cast %mul3A_375 : vector<16xf32> to vector<1x1x16xf32>
        tpu.vector_store %arg7[%swap3A_377, %swap3A_378, %swap3A_379], %swap3A_382 {strides = array<i32>} : memref<4x128x64xf32, #tpu.memory_space<vmem>>, vector<1x1x16xf32>,
        %get3A_383 = arith.constant 3 : i32
        %get3A_384 = arith.index_cast %get3A_383 : i32 to index
        %get3A_385 = arith.index_cast %scan3A_352 : i32 to index
        %get3A_386 = arith.constant 32 : index
        %get3A_387 = tpu.vector_load %arg6[%get3A_384, %get3A_385, %get3A_386] {strides = array<i32>} : memref<4x128x64xf32, #tpu.memory_space<vmem>>, vector<1x1x16xf32>,
        %get3A_388 = vector.shape_cast %get3A_387 : vector<1x1x16xf32> to vector<16xf32>
        %mul3A_389 = arith.constant 8.000000e+00 : f32
        %mul3A_390 = vector.broadcast %mul3A_389 : f32 to vector<16xf32>
        %mul3A_391 = arith.mulf %get3A_388, %mul3A_390 : vector<16xf32>
        %swap3A_392 = arith.constant 3 : i32
        %swap3A_393 = arith.index_cast %swap3A_392 : i32 to index
        %swap3A_394 = arith.index_cast %scan3A_352 : i32 to index
        %swap3A_395 = arith.constant 32 : index
        %swap3A_396 = tpu.vector_load %arg7[%swap3A_393, %swap3A_394, %swap3A_395] {strides = array<i32>} : memref<4x128x64xf32, #tpu.memory_space<vmem>>, vector<1x1x16xf32>,
        %swap3A_397 = vector.shape_cast %swap3A_396 : vector<1x1x16xf32> to vector<16xf32>
        %swap3A_398 = vector.shape_cast %mul3A_391 : vector<16xf32> to vector<1x1x16xf32>
        tpu.vector_store %arg7[%swap3A_393, %swap3A_394, %swap3A_395], %swap3A_398 {strides = array<i32>} : memref<4x128x64xf32, #tpu.memory_space<vmem>>, vector<1x1x16xf32>,
        %get3A_399 = arith.constant 3 : i32
        %get3A_400 = arith.index_cast %get3A_399 : i32 to index
        %get3A_401 = arith.index_cast %scan3A_352 : i32 to index
        %get3A_402 = arith.constant 48 : index
        %get3A_403 = tpu.vector_load %arg6[%get3A_400, %get3A_401, %get3A_402] {strides = array<i32>} : memref<4x128x64xf32, #tpu.memory_space<vmem>>, vector<1x1x16xf32>,
        %get3A_404 = vector.shape_cast %get3A_403 : vector<1x1x16xf32> to vector<16xf32>
        %mul3A_405 = arith.constant 8.000000e+00 : f32
        %mul3A_406 = vector.broadcast %mul3A_405 : f32 to vector<16xf32>
        %mul3A_407 = arith.mulf %get3A_404, %mul3A_406 : vector<16xf32>
        %swap3A_408 = arith.constant 3 : i32
        %swap3A_409 = arith.index_cast %swap3A_408 : i32 to index
        %swap3A_410 = arith.index_cast %scan3A_352 : i32 to index
        %swap3A_411 = arith.constant 48 : index
        %swap3A_412 = tpu.vector_load %arg7[%swap3A_409, %swap3A_410, %swap3A_411] {strides = array<i32>} : memref<4x128x64xf32, #tpu.memory_space<vmem>>, vector<1x1x16xf32>,
        %swap3A_413 = vector.shape_cast %swap3A_412 : vector<1x1x16xf32> to vector<16xf32>
        %swap3A_414 = vector.shape_cast %mul3A_407 : vector<16xf32> to vector<1x1x16xf32>
        tpu.vector_store %arg7[%swap3A_409, %swap3A_410, %swap3A_411], %swap3A_414 {strides = array<i32>} : memref<4x128x64xf32, #tpu.memory_space<vmem>>, vector<1x1x16xf32>,
      }
      %scan3A_325 = arith.constant 128 : i32
      %add3A_326 = arith.constant 4 : i32
      %add3A_327 = arith.addi %add3A_300, %add3A_326 : i32
      %lt3A_328 = arith.constant 200 : i32
      %lt3A_329 = arith.cmpi slt, %add3A_327, %lt3A_328 : i32
      %convert_element_type3A_330 = arith.extui %lt3A_329 : i1 to i32
      %cond3A_331 = arith.constant 0 : i32
      %cond3A_332 = arith.cmpi ne, %convert_element_type3A_330, %cond3A_331 : i32
      scf.if %cond3A_332 {
        %add3A_352 = arith.constant 4 : i32
        %add3A_353 = arith.addi %add3A_300, %add3A_352 : i32
        %dma_start3A_354 = arith.constant 3 : i32
        %dma_start3A_355 = arith.constant 3 : i32
        %dma_start3A_356 = arith.constant 0 : i32
        %dma_start3A_357 = arith.constant 0 : i32
        %dma_start3A_358 = tpu.memref_slice %arg6[%dma_start3A_354, %dma_start3A_356, %dma_start3A_357] : memref<4x128x64xf32, #tpu.memory_space<vmem>> -> memref<1x128x64xf32, #tpu.memory_space<vmem>>
        %dma_start3A_359 = tpu.memref_squeeze %dma_start3A_358 : memref<1x128x64xf32, #tpu.memory_space<vmem>> -> memref<128x64xf32, #tpu.memory_space<vmem>>
        %dma_start3A_360 = arith.constant 0 : i32
        %dma_start3A_361 = tpu.memref_slice %arg5[%add3A_353, %dma_start3A_360] : memref<200x128xi32, #tpu.memory_space<vmem>> -> memref<1x128xi32, #tpu.memory_space<vmem>>
        %dma_start3A_362 = tpu.memref_squeeze %dma_start3A_361 : memref<1x128xi32, #tpu.memory_space<vmem>> -> memref<128xi32, #tpu.memory_space<vmem>>
        %dma_start3A_363 = arith.constant 0 : i32
        %dma_start3A_364 = arith.constant 0 : i32
        %dma_start3A_365 = tpu.memref_slice %arg3[%dma_start3A_363, %dma_start3A_364] : memref<1000000x64xf32, #tpu.memory_space<hbm>> -> memref<1000000x64xf32, #tpu.memory_space<hbm>>
        %dma_start3A_366 = tpu.memref_slice %arg8[%dma_start3A_355] : memref<4x!tpu.dma_semaphore, #tpu.memory_space<semaphore_mem>> -> memref<1x!tpu.dma_semaphore, #tpu.memory_space<semaphore_mem>>
        %dma_start3A_367 = tpu.memref_squeeze %dma_start3A_366 : memref<1x!tpu.dma_semaphore, #tpu.memory_space<semaphore_mem>> -> memref<!tpu.dma_semaphore, #tpu.memory_space<semaphore_mem>>
        tpu.enqueue_indirect_dma source(%dma_start3A_365 : memref<1000000x64xf32, #tpu.memory_space<hbm>>) target(%dma_start3A_359 : memref<128x64xf32, #tpu.memory_space<vmem>>) offsets(%dma_start3A_362 : memref<128xi32, #tpu.memory_space<vmem>>) semaphore(%dma_start3A_367 : memref<!tpu.dma_semaphore, #tpu.memory_space<semaphore_mem>>)
      } else {
      }
      %mul3A_333 = arith.constant 128 : i32
      %mul3A_334 = arith.muli %add3A_300, %mul3A_333 : i32
      %add3A_335 = arith.addi %mul3A_2, %mul3A_334 : i32
      %dma_start3A_336 = arith.constant 3 : i32
      %dma_start3A_337 = arith.constant 3 : i32
      %dma_start3A_338 = arith.constant 0 : i32
      %dma_start3A_339 = arith.constant 0 : i32
      %dma_start3A_340 = tpu.memref_slice %arg7[%dma_start3A_336, %dma_start3A_338, %dma_start3A_339] : memref<4x128x64xf32, #tpu.memory_space<vmem>> -> memref<1x128x64xf32, #tpu.memory_space<vmem>>
      %dma_start3A_341 = tpu.memref_squeeze %dma_start3A_340 : memref<1x128x64xf32, #tpu.memory_space<vmem>> -> memref<128x64xf32, #tpu.memory_space<vmem>>
      %dma_start3A_342 = arith.constant 0 : i32
      %dma_start3A_343 = tpu.memref_slice %arg4[%add3A_335, %dma_start3A_342] : memref<819200x64xf32, #tpu.memory_space<hbm>> -> memref<128x64xf32, #tpu.memory_space<hbm>>
      %dma_start3A_344 = tpu.memref_slice %arg9[%dma_start3A_337] : memref<4x!tpu.dma_semaphore, #tpu.memory_space<semaphore_mem>> -> memref<1x!tpu.dma_semaphore, #tpu.memory_space<semaphore_mem>>
      %dma_start3A_345 = tpu.memref_squeeze %dma_start3A_344 : memref<1x!tpu.dma_semaphore, #tpu.memory_space<semaphore_mem>> -> memref<!tpu.dma_semaphore, #tpu.memory_space<semaphore_mem>>
      %dma_start3A_346 = arith.constant 0 : i32
      %dma_start3A_347 = tpu.memref_slice %arg4[%add3A_335, %dma_start3A_346] : memref<819200x64xf32, #tpu.memory_space<hbm>> -> memref<128x64xf32, #tpu.memory_space<hbm>>
      %dma_start3A_348 = arith.constant 0 : i32
      %dma_start3A_349 = arith.constant 0 : i32
      %dma_start3A_350 = tpu.memref_slice %arg7[%dma_start3A_336, %dma_start3A_348, %dma_start3A_349] : memref<4x128x64xf32, #tpu.memory_space<vmem>> -> memref<1x128x64xf32, #tpu.memory_space<vmem>>
      %dma_start3A_351 = tpu.memref_squeeze %dma_start3A_350 : memref<1x128x64xf32, #tpu.memory_space<vmem>> -> memref<128x64xf32, #tpu.memory_space<vmem>>
      tpu.enqueue_dma source(%dma_start3A_351 : memref<128x64xf32, #tpu.memory_space<vmem>>) target(%dma_start3A_347 : memref<128x64xf32, #tpu.memory_space<hbm>>) target_semaphore(%dma_start3A_345 : memref<!tpu.dma_semaphore, #tpu.memory_space<semaphore_mem>>)
    }
    %scan3A_67 = arith.constant 50 : i32
    %add3A_68 = arith.constant 25088 : i32
    %add3A_69 = arith.addi %mul3A_2, %add3A_68 : i32
    %dma_wait3A = arith.constant 0 : i32
    %dma_wait3A_70 = arith.constant 0 : i32
    %dma_wait3A_71 = arith.constant 0 : i32
    %dma_wait3A_72 = arith.constant 0 : i32
    %dma_wait3A_73 = tpu.memref_slice %arg7[%dma_wait3A, %dma_wait3A_71, %dma_wait3A_72] : memref<4x128x64xf32, #tpu.memory_space<vmem>> -> memref<1x128x64xf32, #tpu.memory_space<vmem>>
    %dma_wait3A_74 = tpu.memref_squeeze %dma_wait3A_73 : memref<1x128x64xf32, #tpu.memory_space<vmem>> -> memref<128x64xf32, #tpu.memory_space<vmem>>
    %dma_wait3A_75 = arith.constant 0 : i32
    %dma_wait3A_76 = tpu.memref_slice %arg4[%add3A_69, %dma_wait3A_75] : memref<819200x64xf32, #tpu.memory_space<hbm>> -> memref<128x64xf32, #tpu.memory_space<hbm>>
    %dma_wait3A_77 = tpu.memref_slice %arg9[%dma_wait3A_70] : memref<4x!tpu.dma_semaphore, #tpu.memory_space<semaphore_mem>> -> memref<1x!tpu.dma_semaphore, #tpu.memory_space<semaphore_mem>>
    %dma_wait3A_78 = tpu.memref_squeeze %dma_wait3A_77 : memref<1x!tpu.dma_semaphore, #tpu.memory_space<semaphore_mem>> -> memref<!tpu.dma_semaphore, #tpu.memory_space<semaphore_mem>>
    %dma_wait3A_79 = arith.constant 0 : i32
    %dma_wait3A_80 = tpu.memref_slice %arg4[%add3A_69, %dma_wait3A_79] : memref<819200x64xf32, #tpu.memory_space<hbm>> -> memref<128x64xf32, #tpu.memory_space<hbm>>
    %dma_wait3A_81 = arith.constant 0 : i32
    %dma_wait3A_82 = arith.constant 0 : i32
    %dma_wait3A_83 = tpu.memref_slice %arg7[%dma_wait3A, %dma_wait3A_81, %dma_wait3A_82] : memref<4x128x64xf32, #tpu.memory_space<vmem>> -> memref<1x128x64xf32, #tpu.memory_space<vmem>>
    %dma_wait3A_84 = tpu.memref_squeeze %dma_wait3A_83 : memref<1x128x64xf32, #tpu.memory_space<vmem>> -> memref<128x64xf32, #tpu.memory_space<vmem>>
    tpu.wait_dma2 semaphore(%dma_wait3A_78 : memref<!tpu.dma_semaphore, #tpu.memory_space<semaphore_mem>>) src(%dma_wait3A_84 : memref<128x64xf32, #tpu.memory_space<vmem>>) dst(%dma_wait3A_80 : memref<128x64xf32, #tpu.memory_space<hbm>>)
    %add3A_85 = arith.constant 25216 : i32
    %add3A_86 = arith.addi %mul3A_2, %add3A_85 : i32
    %dma_wait3A_87 = arith.constant 1 : i32
    %dma_wait3A_88 = arith.constant 1 : i32
    %dma_wait3A_89 = arith.constant 0 : i32
    %dma_wait3A_90 = arith.constant 0 : i32
    %dma_wait3A_91 = tpu.memref_slice %arg7[%dma_wait3A_87, %dma_wait3A_89, %dma_wait3A_90] : memref<4x128x64xf32, #tpu.memory_space<vmem>> -> memref<1x128x64xf32, #tpu.memory_space<vmem>>
    %dma_wait3A_92 = tpu.memref_squeeze %dma_wait3A_91 : memref<1x128x64xf32, #tpu.memory_space<vmem>> -> memref<128x64xf32, #tpu.memory_space<vmem>>
    %dma_wait3A_93 = arith.constant 0 : i32
    %dma_wait3A_94 = tpu.memref_slice %arg4[%add3A_86, %dma_wait3A_93] : memref<819200x64xf32, #tpu.memory_space<hbm>> -> memref<128x64xf32, #tpu.memory_space<hbm>>
    %dma_wait3A_95 = tpu.memref_slice %arg9[%dma_wait3A_88] : memref<4x!tpu.dma_semaphore, #tpu.memory_space<semaphore_mem>> -> memref<1x!tpu.dma_semaphore, #tpu.memory_space<semaphore_mem>>
    %dma_wait3A_96 = tpu.memref_squeeze %dma_wait3A_95 : memref<1x!tpu.dma_semaphore, #tpu.memory_space<semaphore_mem>> -> memref<!tpu.dma_semaphore, #tpu.memory_space<semaphore_mem>>
    %dma_wait3A_97 = arith.constant 0 : i32
    %dma_wait3A_98 = tpu.memref_slice %arg4[%add3A_86, %dma_wait3A_97] : memref<819200x64xf32, #tpu.memory_space<hbm>> -> memref<128x64xf32, #tpu.memory_space<hbm>>
    %dma_wait3A_99 = arith.constant 0 : i32
    %dma_wait3A_100 = arith.constant 0 : i32
    %dma_wait3A_101 = tpu.memref_slice %arg7[%dma_wait3A_87, %dma_wait3A_99, %dma_wait3A_100] : memref<4x128x64xf32, #tpu.memory_space<vmem>> -> memref<1x128x64xf32, #tpu.memory_space<vmem>>
    %dma_wait3A_102 = tpu.memref_squeeze %dma_wait3A_101 : memref<1x128x64xf32, #tpu.memory_space<vmem>> -> memref<128x64xf32, #tpu.memory_space<vmem>>
    tpu.wait_dma2 semaphore(%dma_wait3A_96 : memref<!tpu.dma_semaphore, #tpu.memory_space<semaphore_mem>>) src(%dma_wait3A_102 : memref<128x64xf32, #tpu.memory_space<vmem>>) dst(%dma_wait3A_98 : memref<128x64xf32, #tpu.memory_space<hbm>>)
    %add3A_103 = arith.constant 25344 : i32
    %add3A_104 = arith.addi %mul3A_2, %add3A_103 : i32
    %dma_wait3A_105 = arith.constant 2 : i32
    %dma_wait3A_106 = arith.constant 2 : i32
    %dma_wait3A_107 = arith.constant 0 : i32
    %dma_wait3A_108 = arith.constant 0 : i32
    %dma_wait3A_109 = tpu.memref_slice %arg7[%dma_wait3A_105, %dma_wait3A_107, %dma_wait3A_108] : memref<4x128x64xf32, #tpu.memory_space<vmem>> -> memref<1x128x64xf32, #tpu.memory_space<vmem>>
    %dma_wait3A_110 = tpu.memref_squeeze %dma_wait3A_109 : memref<1x128x64xf32, #tpu.memory_space<vmem>> -> memref<128x64xf32, #tpu.memory_space<vmem>>
    %dma_wait3A_111 = arith.constant 0 : i32
    %dma_wait3A_112 = tpu.memref_slice %arg4[%add3A_104, %dma_wait3A_111] : memref<819200x64xf32, #tpu.memory_space<hbm>> -> memref<128x64xf32, #tpu.memory_space<hbm>>
    %dma_wait3A_113 = tpu.memref_slice %arg9[%dma_wait3A_106] : memref<4x!tpu.dma_semaphore, #tpu.memory_space<semaphore_mem>> -> memref<1x!tpu.dma_semaphore, #tpu.memory_space<semaphore_mem>>
    %dma_wait3A_114 = tpu.memref_squeeze %dma_wait3A_113 : memref<1x!tpu.dma_semaphore, #tpu.memory_space<semaphore_mem>> -> memref<!tpu.dma_semaphore, #tpu.memory_space<semaphore_mem>>
    %dma_wait3A_115 = arith.constant 0 : i32
    %dma_wait3A_116 = tpu.memref_slice %arg4[%add3A_104, %dma_wait3A_115] : memref<819200x64xf32, #tpu.memory_space<hbm>> -> memref<128x64xf32, #tpu.memory_space<hbm>>
    %dma_wait3A_117 = arith.constant 0 : i32
    %dma_wait3A_118 = arith.constant 0 : i32
    %dma_wait3A_119 = tpu.memref_slice %arg7[%dma_wait3A_105, %dma_wait3A_117, %dma_wait3A_118] : memref<4x128x64xf32, #tpu.memory_space<vmem>> -> memref<1x128x64xf32, #tpu.memory_space<vmem>>
    %dma_wait3A_120 = tpu.memref_squeeze %dma_wait3A_119 : memref<1x128x64xf32, #tpu.memory_space<vmem>> -> memref<128x64xf32, #tpu.memory_space<vmem>>
    tpu.wait_dma2 semaphore(%dma_wait3A_114 : memref<!tpu.dma_semaphore, #tpu.memory_space<semaphore_mem>>) src(%dma_wait3A_120 : memref<128x64xf32, #tpu.memory_space<vmem>>) dst(%dma_wait3A_116 : memref<128x64xf32, #tpu.memory_space<hbm>>)
    %add3A_121 = arith.constant 25472 : i32
    %add3A_122 = arith.addi %mul3A_2, %add3A_121 : i32
    %dma_wait3A_123 = arith.constant 3 : i32
    %dma_wait3A_124 = arith.constant 3 : i32
    %dma_wait3A_125 = arith.constant 0 : i32
    %dma_wait3A_126 = arith.constant 0 : i32
    %dma_wait3A_127 = tpu.memref_slice %arg7[%dma_wait3A_123, %dma_wait3A_125, %dma_wait3A_126] : memref<4x128x64xf32, #tpu.memory_space<vmem>> -> memref<1x128x64xf32, #tpu.memory_space<vmem>>
    %dma_wait3A_128 = tpu.memref_squeeze %dma_wait3A_127 : memref<1x128x64xf32, #tpu.memory_space<vmem>> -> memref<128x64xf32, #tpu.memory_space<vmem>>
    %dma_wait3A_129 = arith.constant 0 : i32
    %dma_wait3A_130 = tpu.memref_slice %arg4[%add3A_122, %dma_wait3A_129] : memref<819200x64xf32, #tpu.memory_space<hbm>> -> memref<128x64xf32, #tpu.memory_space<hbm>>
    %dma_wait3A_131 = tpu.memref_slice %arg9[%dma_wait3A_124] : memref<4x!tpu.dma_semaphore, #tpu.memory_space<semaphore_mem>> -> memref<1x!tpu.dma_semaphore, #tpu.memory_space<semaphore_mem>>
    %dma_wait3A_132 = tpu.memref_squeeze %dma_wait3A_131 : memref<1x!tpu.dma_semaphore, #tpu.memory_space<semaphore_mem>> -> memref<!tpu.dma_semaphore, #tpu.memory_space<semaphore_mem>>
    %dma_wait3A_133 = arith.constant 0 : i32
    %dma_wait3A_134 = tpu.memref_slice %arg4[%add3A_122, %dma_wait3A_133] : memref<819200x64xf32, #tpu.memory_space<hbm>> -> memref<128x64xf32, #tpu.memory_space<hbm>>
    %dma_wait3A_135 = arith.constant 0 : i32
    %dma_wait3A_136 = arith.constant 0 : i32
    %dma_wait3A_137 = tpu.memref_slice %arg7[%dma_wait3A_123, %dma_wait3A_135, %dma_wait3A_136] : memref<4x128x64xf32, #tpu.memory_space<vmem>> -> memref<1x128x64xf32, #tpu.memory_space<vmem>>
    %dma_wait3A_138 = tpu.memref_squeeze %dma_wait3A_137 : memref<1x128x64xf32, #tpu.memory_space<vmem>> -> memref<128x64xf32, #tpu.memory_space<vmem>>
    tpu.wait_dma2 semaphore(%dma_wait3A_132 : memref<!tpu.dma_semaphore, #tpu.memory_space<semaphore_mem>>) src(%dma_wait3A_138 : memref<128x64xf32, #tpu.memory_space<vmem>>) dst(%dma_wait3A_134 : memref<128x64xf32, #tpu.memory_space<hbm>>)
    return
  }
}

</mosaic_0001>

<sc_bundles>
// kernel: kernel.3.cloned.1.call-start
scs
__scs_entry_jumppad:
0x0: {  	(pc) =	sbr.rel $0x88, $3  }
0x1: {  	(tag) =	ssettag $0x0;
	lr =	simm.s32 $0x1  }
0x2: {  	[smem:$0x3F9F] =	sst lr;
	_ =	strace $0xD0000000  }
0x3: {  	_ = 	snop  }
0x4: {  	_ = 	snop  }
0x5: {  	_ = 	snop  }
0x6: {  	_ = 	snop  }
0x7: {  	_ = 	snop  }
__scs_overlays_trampoline_lowered:
0x8: {  	[smem:$0x3FAE] =	sst s0  }
0x9: {  	[smem:$0x3FAF] =	sst s1  }
0xa: {  	[smem:$0x3FB0] =	sst s2  }
0xb: {  	[smem:$0x3FB1] =	sst s3  }
0xc: {  	[smem:$0x3FB2] =	sst s4  }
0xd: {  	[smem:$0x3FB3] =	sst s5  }
0xe: {  	[smem:$0x3FB4] =	sst s6  }
0xf: {  	[smem:$0x3FB5] =	sst s7  }
0x10: {  	[smem:$0x3FB6] =	sst s8  }
0x11: {  	[smem:$0x3FB7] =	sst s9;
	s0 =	simm.s32 @!p0 $0x0  }
0x12: {  	s1 =	sld [smem:$0x3F9D];
	s0 =	simm.s32 @p0 $0x1  }
0x13: {  	[smem:$0x3FB8] =	sst s0;
	s0 =	simm.s32 @!p1 $0x0  }
0x14: {  	s2 =	sld [smem:$0x3F9C];
	s0 =	simm.s32 @p1 $0x1  }
0x15: {  	[smem:$0x3FB9] =	sst s0;
	s0 =	simm.s32 @!p2 $0x0  }
0x16: {  	s3 =	sld [smem:$0x3FDB];
	s0 =	simm.s32 @p2 $0x1  }
0x17: {  	s4 =	simm.s32 $0x1BF5;
	[smem:$0x3FBB] =	sst s0  }
0x18: {  	s0 =	sld [smem:$0x3F9E];
	_ =	swait.ge [sflag:s4], $0x0  }
0x19: {  	s7 =	sld [smem:$0x3F9F]  }
0x1a: {  	s8 =	sadd.s32 $0xFFFFE003, lr  }
0x1b: {  	s9 =	sadd.s32 $0xFFFFFEF7, lr;
	s5 =	simm.s32 $0xFFFFFFFF;
	p2 =	slt.u32 s8, $0xFFFFF086  }
0x1c: {  	p1 =	slt.u32 s9, $0xF7A;
	s5 =	simm.s32 @!p2 $0x0  }
0x1d: {  	s5 =	simm.s32 @p1 $0x1;
	p0 =	seq.s32 s7, s2  }
0x1e: {  	s7 =	smul.u32 @!p0 $0xF7A, s2;
	p2 =	seq.s32 @!p0 s5, $0x0  }
0x1f: {  	s9 =	smul.u32 $0xF7A, s1;
	s8 =	simm.s32 @!p0 $0x1BF5;
	p2 =	por !p2, p0  }
0x20: {  	[sflag:s8] =	ssyncset.s32 @!p0 $0xFFFFF086;
	s6 =	sadd.s32 @!p0 s3, s7;
	s7 =	simm.s32 @!p0 $0x108  }
0x21: {  	s3 =	sadd.s32 s3, s9;
	s6 =	sadd.s32 @!p0 $0x88, s6;
	s7 =	simm.s32 @p2 $0x1082  }
0x22: {  	[simem:s7], [sflag:s8] =	dma.local @!p0 [hbm:s6], $0xF7A  }
0x23: {  	s9 =	sor.u32 $0xD0000000, s2;
	s6 =	simm.s32 $0x108;
	_ =	swait.ge @!p0 [sflag:s8], $0x0  }
0x24: {  	s3 =	sadd.s32 $0x88, s3;
	s6 =	simm.s32 @!p1 $0x1082;
	[sflag:s4] =	ssyncset.s32 $0xFFFFF086  }
0x25: {  	[simem:s6], [sflag:s4] =	dma.local [hbm:s3], $0xF7A  }
0x26: {  	[smem:$0x3F9F] =	sst s1;
	(tag) =	ssettag s2;
	_ =	strace s9  }
0x27: {  	s1 =	sld [smem:$0x3FAF]  }
0x28: {  	s2 =	sld [smem:$0x3FB0]  }
0x29: {  	s4 =	sld [smem:$0x3FB2]  }
0x2a: {  	p0 =	seq.s32 s5, $0x0;
	s5 =	sld [smem:$0x3FB3]  }
0x2b: {  	s6 =	sld [smem:$0x3FB4]  }
0x2c: {  	s7 =	sld [smem:$0x3FB5]  }
0x2d: {  	s3 =	simm.s32 $0x108;
	s8 =	sld [smem:$0x3FB6]  }
0x2e: {  	s3 =	simm.s32 @!p0 $0x1082;
	s9 =	sld [smem:$0x3FB7]  }
0x2f: {  	lr =	sadd.s32 s0, s3;
	s0 =	sld [smem:$0x3FAE]  }
0x30: {  	s3 =	sld [smem:$0x3FB1]  }
0x31: {  	[smem:$0x3FBA] =	sst s10  }
0x32: {  	s10 =	sld [smem:$0x3FB8];
	_ =	sdelay $0x3  }
0x33: {  	p0 =	seq.s32 s10, $0x1;
	s10 =	sld [smem:$0x3FBA];
	_ =	sdelay $0x3  }
0x34: {  	[smem:$0x3FBA] =	sst s10  }
0x35: {  	s10 =	sld [smem:$0x3FB9];
	_ =	sdelay $0x3  }
0x36: {  	p1 =	seq.s32 s10, $0x1;
	s10 =	sld [smem:$0x3FBA];
	_ =	sdelay $0x3  }
0x37: {  	[smem:$0x3FBA] =	sst s10  }
0x38: {  	s10 =	sld [smem:$0x3FBB]  }
0x39: {  	_ = 	snop;
	(pc) =	sbr.ind lr, $3  }
0x3a: {  	_ = 	snop  }
0x3b: {  	_ = 	snop  }
0x3c: {  	p2 =	seq.s32 s10, $0x1;
	s10 =	sld [smem:$0x3FBA]  }
0x3d: {  	_ =	shalt  }
0x3e: {  	_ =	shalt  }
0x3f: {  	_ =	shalt  }
0x40: {  	_ =	shalt  }
0x41: {  	_ =	shalt  }
0x42: {  	_ =	shalt  }
0x43: {  	_ =	shalt  }
0x44: {  	_ =	shalt  }
0x45: {  	_ =	shalt  }
0x46: {  	_ =	shalt  }
0x47: {  	_ =	shalt  }
0x48: {  	_ =	shalt  }
0x49: {  	_ =	shalt  }
0x4a: {  	_ =	shalt  }
0x4b: {  	_ =	shalt  }
0x4c: {  	_ =	shalt  }
0x4d: {  	_ =	shalt  }
0x4e: {  	_ =	shalt  }
0x4f: {  	_ =	shalt  }
0x50: {  	_ =	shalt  }
0x51: {  	_ =	shalt  }
0x52: {  	_ =	shalt  }
0x53: {  	_ =	shalt  }
0x54: {  	_ =	shalt  }
0x55: {  	_ =	shalt  }
0x56: {  	_ =	shalt  }
0x57: {  	_ =	shalt  }
0x58: {  	_ =	shalt  }
0x59: {  	_ =	shalt  }
0x5a: {  	_ =	shalt  }
0x5b: {  	_ =	shalt  }
0x5c: {  	_ =	shalt  }
0x5d: {  	_ =	shalt  }
0x5e: {  	_ =	shalt  }
0x5f: {  	_ =	shalt  }
0x60: {  	_ =	shalt  }
0x61: {  	_ =	shalt  }
0x62: {  	_ =	shalt  }
0x63: {  	_ =	shalt  }
0x64: {  	_ =	shalt  }
0x65: {  	_ =	shalt  }
0x66: {  	_ =	shalt  }
0x67: {  	_ =	shalt  }
0x68: {  	_ =	shalt  }
0x69: {  	_ =	shalt  }
0x6a: {  	_ =	shalt  }
0x6b: {  	_ =	shalt  }
0x6c: {  	_ =	shalt  }
0x6d: {  	_ =	shalt  }
0x6e: {  	_ =	shalt  }
0x6f: {  	_ =	shalt  }
0x70: {  	_ =	shalt  }
0x71: {  	_ =	shalt  }
0x72: {  	_ =	shalt  }
0x73: {  	_ =	shalt  }
0x74: {  	_ =	shalt  }
0x75: {  	_ =	shalt  }
0x76: {  	_ =	shalt  }
0x77: {  	_ =	shalt  }
0x78: {  	_ =	shalt  }
0x79: {  	_ =	shalt  }
0x7a: {  	_ =	shalt  }
0x7b: {  	_ =	shalt  }
0x7c: {  	_ =	shalt  }
0x7d: {  	_ =	shalt  }
0x7e: {  	_ =	shalt  }
0x7f: {  	_ =	shalt  }
0x80: {  	_ =	shalt  }
0x81: {  	_ =	shalt  }
0x82: {  	_ =	shalt  }
0x83: {  	_ =	shalt  }
0x84: {  	_ =	shalt  }
0x85: {  	_ =	shalt  }
0x86: {  	_ =	shalt  }
0x87: {  	_ =	shalt  }
.Lfunc_end0:
.L_simem_size_0:
called_computation.1_lowered:
.L_overlay_start_0:
0x88: {  	s2 =	sld [smem:$0x3FD9]  }
0x89: {  	s3 =	sld [smem:$0x3FFE];
	_ =	sdelay $0x1  }
0x8a: {  	s1 =	srdreg.scid  }
0x8b: {  	s0 =	sand.u32 $0x1, s1  }
0x8c: {  	s17 =	sshll.u32 s0, $0xA;
	s2 =	sadd.s32 s3, s2  }
0x8d: {  	s2 =	sadd.s32 s2, s17  }
0x8e: {  	[smem:$0x3FC6] =	sst s2  }
0x8f: {  	_ = 	snop  }
0x90: {  	s2 =	sld [smem:$0x3FD0];
	(tm) =	ssettm $0x1  }
0x91: {  	s18 =	sld [smem:$0x3FFB];
	_ =	sdelay $0x3  }
0x92: {  	_ =	strace s18  }
0x93: {  	s3 =	sld [smem:$0x3FFC];
	_ =	sdelay $0x3  }
0x94: {  	_ =	strace s3  }
0x95: {  	s3 =	sld [smem:$0x3FFD];
	_ =	sdelay $0x3  }
0x96: {  	_ =	strace s3  }
0x97: {  	_ =	strace $0x8FFFFFFF  }
0x98: {  	s19 =	sld [smem:$0x3FDB];
	_ =	sdelay $0x1  }
0x99: {  	s4 =	simm.s32 $_scs_section_size  }
0x9a: {  	s5 =	simm.s32 $_size__tile_overlayer_lowered;
	s6 =	simm.s32 $_tile_overlayer_lowered  }
0x9b: {  	s22 =	simm.s32 $0x1BFF;
	s21 =	sshll.u32 s6, $0x1;
	s3 =	sadd.s32 s4, s19  }
0x9c: {  	s7 =	simm.s32 $0x0;
	s20 =	sshll.u32 s5, $0x1;
	s5 =	sadd.s32 s21, s3  }
0x9d: {  	[timem:s7], [sflag:s22] =	dma.local [hbm:s5], s20  }
0x9e: {  	_ =	swait.ge [sflag:s22], s20  }
0x9f: {  	s4 =	ssub.s32 $0x0, s20;
	[sflag:s22] =	ssyncset.done $0x0  }
0xa0: {  	[sflag:s22] =	ssyncadd.s32 s4;
	_ =	sdelay $0x1  }
0xa1: {  	s23 =	simm.s32 $0x1B8B  }
0xa2: {  	_ =	swait.ge [sflag:s23], $0x1  }
0xa3: {  	[sflag:s23] =	ssyncset.done $0x0  }
0xa4: {  	s25 =	simm.s32 $0x1B8E;
	s24 =	sld [smem:$0x3FFE];
	[sflag:s23] =	ssyncadd.s32 $0xFFFFFFFF  }
0xa5: {  	s26 =	simm.s32 $execute0_lowered;
	[smem:$0x3FD2] =	sst s25  }
0xa6: {  	s5 =	sshll.u32 s26, $0x1;
	_ =	strace $0x80000046;
	[dreg:$0x1] =	wrdreg $0xFFFFFFFF  }
0xa7: {  	s28 =	simm.s32 $_size_execute0_lowered;
	s3 =	sadd.s32 s3, s5;
	[dreg:$0x0] =	wrdreg $0x0  }
0xa8: {  	s5 =	sshll.u32 s28, $0x1;
	[dreg:$0x2] =	wrdreg s3  }
0xa9: {  	[dreg:$0x3] =	wrdreg s5  }
0xaa: {  	[dreg:$0x4] =	wrdreg $0xC0  }
0xab: {  	_ =	task [dreg:s7], $0x5FFFF  }
0xac: {  	[dreg:$0x1] =	wrdreg $0xFFFFFFFF  }
0xad: {  	[dreg:$0x0] =	wrdreg $0x60  }
0xae: {  	[dreg:$0x2] =	wrdreg s24  }
0xaf: {  	[dreg:$0x3] =	wrdreg s2  }
0xb0: {  	[dreg:$0x4] =	wrdreg $0x9  }
0xb1: {  	_ =	task.clear_ibuf [dreg:s7], $0x5FFFF;
	_ =	strace $0x90000046  }
0xb2: {  	s29 =	simm.s32 $0x9;
	_ =	strace $0x80000048  }
0xb3: {  	_ =	swait.ge [sflag:s29], $0x1  }
0xb4: {  	[sflag:s29] =	ssyncadd.s32 $0xFFFFFFFF  }
0xb5: {  	_ =	strace $0x90000048  }
0xb6: {  	_ =	sfence  }
0xb7: {  	s30 =	sld [smem:$0x0];
	_ =	sdelay $0x2  }
0xb8: {  	s31 =	sshll.u32 s1, $0xD;
	s1 =	sshrl.u32 s1, $0x2  }
0xb9: {  	s3 =	sand.u32 $0x4000, s31;
	s1 =	sadd.s32 s1, s30  }
0xba: {  	s0 =	sor.u32 s3, s0;
	s1 =	sshll.u32 s1, $0x11  }
0xbb: {  	s0 =	sor.u32 s1, s0  }
0xbc: {  	s0 =	sadd.s32 $0x8F2B, s0  }
0xbd: {  	[sflag:s0] =	ssyncadd.remote.s32 $0x1  }
0xbe: {  	_ =	sfence.sel $0xFFFF  }
0xbf: {  	[dreg:$0x0] =	wrdreg $0xFFFFFFFF;
	(pc) =	sbr.abs _section_cstart, $3  }
0xc0: {  	[dreg:$0x1] =	wrdreg $0xFFFFFFFF  }
0xc1: {  	_ =	task.clear_ibuf [dreg:s7], $0x2FFFF;
	_ =	strace $0x9FFFFFFF  }
0xc2: {  	(tm) =	ssettm $0x7FFFFFFF  }
0xc3: {  	_ =	shalt  }
tec
execute0_lowered:
.L_overlay_start_1:
0x0: {  	(tag) =	ssettag $0x1  }
0x1: {  	s0 =	rddreg [dreg:$0x0];
	s1 =	srdreg.scid  }
0x2: {  	s3 =	stileid.u32;
	s2 =	rddreg [dreg:$0x1];
	s11 =	simm.s32 $0x9  }
0x3: {  	s12 =	simm.s32 $0x80;
	s19 =	simm.s32 $0x1;
	s20 =	simm.s32 $0xE400  }
0x4: {  	s21 =	simm.s32 $0x2;
	s22 =	simm.s32 $0x10400;
	s23 =	simm.s32 $0x3  }
0x5: {  	s24 =	simm.s32 $0x12400;
	s25 =	simm.s32 $0x4;
	s28 =	simm.s32 $0x5  }
0x6: {  	s29 =	simm.s32 $0x6;
	s1 =	sand.u32 $0x1, s1;
	s4 =	sshll.u32 s3, $0x1  }
0x7: {  	s30 =	simm.s32 $0x7;
	s3 =	simm.s32 $0x0;
	s5 =	sor.u32 s1, s4  }
0x8: {  	s31 =	simm.s32 $0x8;
	[smem:$0x7FF] =	sst s3;
	s4 =	smul.u32 $0xC80, s5  }
0x9: {  	s1 =	ssub.s32 $0x2, s1;
	_ =	strace $0x80000047;
	s9 =	smul.u32 $0x6400, s5  }
0xa: {  	s26 =	sshrl.u32 s1, $0x1;
	s5 =	smul.u32 $0x190000, s5;
	s6 =	sadd.s32 s4, s0  }
0xb: {  	s4 =	sadd.s32 $0xF42E00, s0;
	s0 =	ssub.s32 s1, s26;
	s7 =	sor.u32 $0x80, s9  }
0xc: {  	s8 =	sor.u32 $0x4000, s5;
	s9 =	sor.u32 $0x180, s9;
	s26 =	simm.s32 $0x14400  }
0xd: {  	s1 =	simm.s32 $0x0;
	s6 =	sadd.s32 $0xA00, s6;
	s10 =	smax.u32 s0, $0x1  }
.LBB2_1:
0xe: {  	[tilespmem:s3], [sflag:$0x9] =	stream.linear.gather [hbm4b:s6+s3], $0x6400, $0x38;
	[tilespmem:$0x16400] =	vst v63  }
0xf: {  	_ =	swait.ge [sflag:s11], $0x6400  }
0x10: {  	[sflag:s11] =	ssyncset.done $0x0  }
0x11: {  	s0 =	simm.s32 $0x6400;
	[sflag:s11] =	ssyncadd.s32 $0xFFFF9C00  }
0x12: {  	[tilespmem:s0], [sflag:$0x1] =	stream.indirect.gather [hbm4b:s4+s12], $0x40, s3, s12, $0xb8;
	[tilespmem:$0x16400] =	vst v63  }
0x13: {  	s15 =	simm.s32 $0x8400  }
0x14: {  	[tilespmem:s15], [sflag:$0x2] =	stream.indirect.gather [hbm4b:s4+s12], $0x40, s12, s12, $0xb8;
	[tilespmem:$0x16400] =	vst v63  }
0x15: {  	s16 =	simm.s32 $0x100;
	s13 =	simm.s32 $0xA400  }
0x16: {  	[tilespmem:s13], [sflag:$0x3] =	stream.indirect.gather [hbm4b:s4+s12], $0x40, s16, s12, $0xb8;
	[tilespmem:$0x16400] =	vst v63  }
0x17: {  	s17 =	simm.s32 $0x180;
	s18 =	simm.s32 $0xC400;
	s0 =	simm.s32 $0x0  }
0x18: {  	[tilespmem:s18], [sflag:$0x4] =	stream.indirect.gather [hbm4b:s4+s12], $0x40, s17, s12, $0xb8;
	[tilespmem:$0x16400] =	vst v63  }
.LBB2_2:
0x19: {  	_ =	swait.ge [sflag:s19], $0x2000  }
0x1a: {  	p0 =	seq.s32 s0, $0x0;
	[sflag:s19] =	ssyncset.done $0x0  }
0x1b: {  	s13 =	simm.s32 @!p0 $0x5;
	[sflag:s19] =	ssyncadd.s32 $0xFFFFE000  }
0x1c: {  	_ =	swait.ge @!p0 [sflag:s13], $0x2000  }
0x1d: {  	[sflag:s13] =	ssyncset.done @!p0 $0x0  }
0x1e: {  	s14 =	simm.s32 $0x0;
	[sflag:s13] =	ssyncadd.s32 @!p0 $0xFFFFE000  }
0x1f: {  	v0 =	vld [tilespmem:s14+$0x6430]  }
0x20: {  	v1 =	vld [tilespmem:s14+$0x6400]  }
0x21: {  	v3 =	vld [tilespmem:s14+$0x6410]  }
0x22: {  	v2 =	vld [tilespmem:s14+$0x6420]  }
0x23: {  	s15 =	simm.s32 $0x100;
	s13 =	sshll.u32 s0, $0xB  }
.LBB2_3:
0x24: {  	s16 =	sshra.s32 s15, $0x2;
	p1 =	sne.s32 s15, $0x7F00;
	s15 =	sadd.s32 $0x100, s15;
	v4 =	vmul.f32 $8.000000000e+00, v0  }
.Ltmp0:
0x25: {  	v0 =	vld [tilespmem:s16+$0x6430];
	v5 =	vmul.f32 $8.000000000e+00, v1;
	(pc) =	sbr.rel @p1 .LBB2_3-.Ltmp0, $4  }
0x26: {  	v1 =	vld [tilespmem:s16+$0x6400];
	v6 =	vmul.f32 $8.000000000e+00, v3;
	[tilespmem:s14+$0xE430] =	vst v4  }
0x27: {  	v3 =	vld [tilespmem:s16+$0x6410];
	[tilespmem:s14+$0xE400] =	vst v5;
	v4 =	vmul.f32 $8.000000000e+00, v2  }
0x28: {  	v2 =	vld [tilespmem:s16+$0x6420];
	[tilespmem:s14+$0xE410] =	vst v6  }
0x29: {  	[tilespmem:s14+$0xE420] =	vst v4;
	s14 =	smov.u32 s16  }
0x2a: {  	v0 =	vmul.f32 $8.000000000e+00, v0  }
0x2b: {  	v1 =	vmul.f32 $8.000000000e+00, v1  }
0x2c: {  	v3 =	vmul.f32 $8.000000000e+00, v3;
	[tilespmem:s14+$0xE430] =	vst v0  }
0x2d: {  	p1 =	seq.s32 s0, $0x31;
	[tilespmem:s14+$0xE400] =	vst v1;
	v0 =	vmul.f32 $8.000000000e+00, v2  }
0x2e: {  	s13 =	sshrl.u32 @!p1 s13, $0x2;
	[tilespmem:s14+$0xE410] =	vst v3  }
0x2f: {  	s15 =	simm.s32 @!p1 $0x80;
	s16 =	simm.s32 @!p1 $0x6400;
	[tilespmem:s14+$0xE420] =	vst v0;
	s14 =	sadd.s32 @!p1 $0x200, s13  }
0x30: {  	[tilespmem:s16], [sflag:$0x1] =	stream.indirect.gather @!p1 [hbm4b:s4+s15], $0x40, s14, s15, $0xb8;
	[tilespmem:$0x16400] =	vst v63  }
0x31: {  	s14 =	sshll.u32 s0, $0xF  }
0x32: {  	s18 =	sadd.s32 s5, s14  }
0x33: {  	s15 =	sshrl.u32 s18, $0x3  }
0x34: {  	s15 =	sadd.s32 s2, s15  }
0x35: {  	[hbm4b:s15+s3] =	stream.linear.scatter [tilespmem:s20], [sflag:$0x5], $0x2000, $0x38;
	[tilespmem:$0x16400] =	vst v63  }
0x36: {  	_ =	swait.ge [sflag:s21], $0x2000  }
0x37: {  	[sflag:s21] =	ssyncset.done $0x0  }
0x38: {  	s15 =	simm.s32 @!p0 $0x6;
	[sflag:s21] =	ssyncadd.s32 $0xFFFFE000  }
0x39: {  	_ =	swait.ge @!p0 [sflag:s15], $0x2000  }
0x3a: {  	[sflag:s15] =	ssyncset.done @!p0 $0x0  }
0x3b: {  	[sflag:s15] =	ssyncadd.s32 @!p0 $0xFFFFE000;
	s15 =	simm.s32 $0x0  }
0x3c: {  	v1 =	vld [tilespmem:s15+$0x8430]  }
0x3d: {  	v2 =	vld [tilespmem:s15+$0x8400]  }
0x3e: {  	v3 =	vld [tilespmem:s15+$0x8410]  }
0x3f: {  	v0 =	vld [tilespmem:s15+$0x8420]  }
0x40: {  	s16 =	simm.s32 $0x100  }
.LBB2_5:
0x41: {  	s17 =	sshra.s32 s16, $0x2;
	p2 =	sne.s32 s16, $0x7F00;
	s16 =	sadd.s32 $0x100, s16;
	v4 =	vmul.f32 $8.000000000e+00, v1  }
.Ltmp1:
0x42: {  	v1 =	vld [tilespmem:s17+$0x8430];
	v5 =	vmul.f32 $8.000000000e+00, v2;
	(pc) =	sbr.rel @p2 .LBB2_5-.Ltmp1, $4  }
0x43: {  	v2 =	vld [tilespmem:s17+$0x8400];
	v6 =	vmul.f32 $8.000000000e+00, v3;
	[tilespmem:s15+$0x10430] =	vst v4  }
0x44: {  	v3 =	vld [tilespmem:s17+$0x8410];
	[tilespmem:s15+$0x10400] =	vst v5;
	v4 =	vmul.f32 $8.000000000e+00, v0  }
0x45: {  	v0 =	vld [tilespmem:s17+$0x8420];
	[tilespmem:s15+$0x10410] =	vst v6  }
0x46: {  	[tilespmem:s15+$0x10420] =	vst v4;
	s15 =	smov.u32 s17  }
0x47: {  	v1 =	vmul.f32 $8.000000000e+00, v1  }
0x48: {  	v2 =	vmul.f32 $8.000000000e+00, v2  }
0x49: {  	v3 =	vmul.f32 $8.000000000e+00, v3;
	[tilespmem:s15+$0x10430] =	vst v1  }
0x4a: {  	[tilespmem:s15+$0x10400] =	vst v2;
	v0 =	vmul.f32 $8.000000000e+00, v0  }
0x4b: {  	[tilespmem:s15+$0x10410] =	vst v3  }
0x4c: {  	s16 =	simm.s32 @!p1 $0x80;
	s17 =	simm.s32 @!p1 $0x8400;
	[tilespmem:s15+$0x10420] =	vst v0;
	s15 =	sadd.s32 @!p1 $0x280, s13  }
0x4d: {  	[tilespmem:s17], [sflag:$0x2] =	stream.indirect.gather @!p1 [hbm4b:s4+s16], $0x40, s15, s16, $0xb8;
	[tilespmem:$0x16400] =	vst v63  }
0x4e: {  	s15 =	sshll.u32 s0, $0x9  }
0x4f: {  	s18 =	sadd.s32 s15, s7  }
0x50: {  	s16 =	sshll.u32 s18, $0x3  }
0x51: {  	s16 =	sand.u32 $0x1FFFF400, s16  }
0x52: {  	s16 =	sadd.s32 s2, s16  }
0x53: {  	[hbm4b:s16+s3] =	stream.linear.scatter [tilespmem:s22], [sflag:$0x6], $0x2000, $0x38;
	[tilespmem:$0x16400] =	vst v63  }
0x54: {  	_ =	swait.ge [sflag:s23], $0x2000  }
0x55: {  	[sflag:s23] =	ssyncset.done $0x0  }
0x56: {  	s16 =	simm.s32 @!p0 $0x7;
	[sflag:s23] =	ssyncadd.s32 $0xFFFFE000  }
0x57: {  	_ =	swait.ge @!p0 [sflag:s16], $0x2000  }
0x58: {  	[sflag:s16] =	ssyncset.done @!p0 $0x0  }
0x59: {  	[sflag:s16] =	ssyncadd.s32 @!p0 $0xFFFFE000;
	s16 =	simm.s32 $0x0  }
0x5a: {  	v1 =	vld [tilespmem:s16+$0xA430]  }
0x5b: {  	v2 =	vld [tilespmem:s16+$0xA400]  }
0x5c: {  	v3 =	vld [tilespmem:s16+$0xA410]  }
0x5d: {  	v0 =	vld [tilespmem:s16+$0xA420]  }
0x5e: {  	s17 =	simm.s32 $0x100  }
.LBB2_7:
0x5f: {  	s18 =	sshra.s32 s17, $0x2;
	p2 =	sne.s32 s17, $0x7F00;
	s17 =	sadd.s32 $0x100, s17;
	v4 =	vmul.f32 $8.000000000e+00, v1  }
.Ltmp2:
0x60: {  	v1 =	vld [tilespmem:s18+$0xA430];
	v5 =	vmul.f32 $8.000000000e+00, v2;
	(pc) =	sbr.rel @p2 .LBB2_7-.Ltmp2, $4  }
0x61: {  	v2 =	vld [tilespmem:s18+$0xA400];
	v6 =	vmul.f32 $8.000000000e+00, v3;
	[tilespmem:s16+$0x12430] =	vst v4  }
0x62: {  	v3 =	vld [tilespmem:s18+$0xA410];
	[tilespmem:s16+$0x12400] =	vst v5;
	v4 =	vmul.f32 $8.000000000e+00, v0  }
0x63: {  	v0 =	vld [tilespmem:s18+$0xA420];
	[tilespmem:s16+$0x12410] =	vst v6  }
0x64: {  	[tilespmem:s16+$0x12420] =	vst v4;
	s16 =	smov.u32 s18  }
0x65: {  	v1 =	vmul.f32 $8.000000000e+00, v1  }
0x66: {  	v2 =	vmul.f32 $8.000000000e+00, v2  }
0x67: {  	v3 =	vmul.f32 $8.000000000e+00, v3;
	[tilespmem:s16+$0x12430] =	vst v1  }
0x68: {  	[tilespmem:s16+$0x12400] =	vst v2;
	v0 =	vmul.f32 $8.000000000e+00, v0  }
0x69: {  	s17 =	simm.s32 @!p1 $0x80;
	s14 =	sadd.s32 s14, s8;
	[tilespmem:s16+$0x12410] =	vst v3  }
0x6a: {  	s18 =	simm.s32 @!p1 $0xA400;
	s14 =	sshrl.u32 s14, $0x3;
	[tilespmem:s16+$0x12420] =	vst v0;
	s16 =	sadd.s32 @!p1 $0x300, s13  }
0x6b: {  	[tilespmem:s18], [sflag:$0x3] =	stream.indirect.gather @!p1 [hbm4b:s4+s17], $0x40, s16, s17, $0xb8;
	[tilespmem:$0x16400] =	vst v63  }
0x6c: {  	s14 =	sadd.s32 s2, s14  }
0x6d: {  	[hbm4b:s14+s3] =	stream.linear.scatter [tilespmem:s24], [sflag:$0x7], $0x2000, $0x38;
	[tilespmem:$0x16400] =	vst v63  }
0x6e: {  	_ =	swait.ge [sflag:s25], $0x2000  }
0x6f: {  	[sflag:s25] =	ssyncset.done $0x0  }
0x70: {  	s14 =	simm.s32 @!p0 $0x8;
	[sflag:s25] =	ssyncadd.s32 $0xFFFFE000  }
0x71: {  	_ =	swait.ge @!p0 [sflag:s14], $0x2000  }
0x72: {  	[sflag:s14] =	ssyncset.done @!p0 $0x0  }
0x73: {  	[sflag:s14] =	ssyncadd.s32 @!p0 $0xFFFFE000;
	s14 =	simm.s32 $0x0  }
0x74: {  	v1 =	vld [tilespmem:s14+$0xC430]  }
0x75: {  	v2 =	vld [tilespmem:s14+$0xC400]  }
0x76: {  	v3 =	vld [tilespmem:s14+$0xC410]  }
0x77: {  	v0 =	vld [tilespmem:s14+$0xC420]  }
0x78: {  	s16 =	simm.s32 $0x100  }
.LBB2_9:
0x79: {  	s17 =	sshra.s32 s16, $0x2;
	p0 =	sne.s32 s16, $0x7F00;
	s16 =	sadd.s32 $0x100, s16;
	v4 =	vmul.f32 $8.000000000e+00, v1  }
.Ltmp3:
0x7a: {  	v1 =	vld [tilespmem:s17+$0xC430];
	v5 =	vmul.f32 $8.000000000e+00, v2;
	(pc) =	sbr.rel @p0 .LBB2_9-.Ltmp3, $4  }
0x7b: {  	v2 =	vld [tilespmem:s17+$0xC400];
	v6 =	vmul.f32 $8.000000000e+00, v3;
	[tilespmem:s14+$0x14430] =	vst v4  }
0x7c: {  	v3 =	vld [tilespmem:s17+$0xC410];
	[tilespmem:s14+$0x14400] =	vst v5;
	v4 =	vmul.f32 $8.000000000e+00, v0  }
0x7d: {  	v0 =	vld [tilespmem:s17+$0xC420];
	[tilespmem:s14+$0x14410] =	vst v6  }
0x7e: {  	[tilespmem:s14+$0x14420] =	vst v4;
	s14 =	smov.u32 s17  }
0x7f: {  	v1 =	vmul.f32 $8.000000000e+00, v1  }
0x80: {  	v2 =	vmul.f32 $8.000000000e+00, v2  }
0x81: {  	v3 =	vmul.f32 $8.000000000e+00, v3;
	[tilespmem:s14+$0x14430] =	vst v1  }
0x82: {  	[tilespmem:s14+$0x14400] =	vst v2;
	v0 =	vmul.f32 $8.000000000e+00, v0  }
0x83: {  	s13 =	sadd.s32 @!p1 $0x380, s13;
	s0 =	sadd.s32 $0x1, s0;
	[tilespmem:s14+$0x14410] =	vst v3  }
0x84: {  	s16 =	simm.s32 @!p1 $0xC400;
	p0 =	sne.s32 s0, $0x32;
	[tilespmem:s14+$0x14420] =	vst v0;
	s14 =	simm.s32 @!p1 $0x80  }
0x85: {  	[tilespmem:s16], [sflag:$0x4] =	stream.indirect.gather @!p1 [hbm4b:s4+s14], $0x40, s13, s14, $0xb8;
	[tilespmem:$0x16400] =	vst v63  }
.Ltmp4:
0x86: {  	s18 =	sadd.s32 s15, s9;
	(pc) =	sbr.rel @p0 .LBB2_2-.Ltmp4, $4  }
0x87: {  	s13 =	sshll.u32 s18, $0x3  }
0x88: {  	s13 =	sand.u32 $0x1FFFFC00, s13  }
0x89: {  	s13 =	sadd.s32 s2, s13  }
0x8a: {  	[hbm4b:s13+s3] =	stream.linear.scatter [tilespmem:s26], [sflag:$0x8], $0x2000, $0x38;
	[tilespmem:$0x16400] =	vst v63  }
0x8b: {  	_ =	swait.ge [sflag:s28], $0x2000  }
0x8c: {  	[sflag:s28] =	ssyncset.done $0x0  }
0x8d: {  	[sflag:s28] =	ssyncadd.s32 $0xFFFFE000  }
0x8e: {  	_ =	swait.ge [sflag:s29], $0x2000  }
0x8f: {  	[sflag:s29] =	ssyncset.done $0x0  }
0x90: {  	s1 =	sadd.s32 $0x1, s1;
	[sflag:s29] =	ssyncadd.s32 $0xFFFFE000  }
0x91: {  	p0 =	sne.s32 s1, s10;
	_ =	swait.ge [sflag:s30], $0x2000  }
.Ltmp5:
0x92: {  	[sflag:s30] =	ssyncset.done $0x0;
	(pc) =	sbr.rel @p0 .LBB2_1-.Ltmp5, $4  }
0x93: {  	[sflag:s30] =	ssyncadd.s32 $0xFFFFE000  }
0x94: {  	_ =	swait.ge [sflag:s31], $0x2000  }
0x95: {  	[sflag:s31] =	ssyncset.done $0x0  }
0x96: {  	[sflag:s31] =	ssyncadd.s32 $0xFFFFE000  }
0x97: {  	_ =	sfence.sel $0x180000  }
0x98: {  	[bflag:$0x0] =	sbarrier.arrive $0xFFFF  }
0x99: {  	_ =	strace $0x90000047  }
0x9a: {  	s0 =	stileid.u32;
	[bflag:$0x2] =	sbarrier.arrive $0xFFFF  }
0x9b: {  	p0 =	sne.s32 s0, $0x0;
	s0 =	rddreg [dreg:$0x2]  }
0x9c: {  	s0 =	sadd.s32 @!p0 $0x100000, s0  }
0x9d: {  	[sflag:s0] =	ssyncadd.tile.s32 @!p0 $0x1;
	_ =	shalt  }
.Lfunc_end2:
_tile_overlayer_lowered:
.L_overlay_start_2:
0x9e: {  	(tag) =	ssettag $0x2  }
0x9f: {  	s0 =	rddreg [dreg:$0x0];
	s2 =	stileid.u32  }
0xa0: {  	s1 =	rddreg [dreg:$0x1];
	p0 =	sne.s32 s2, $0x0  }
0xa1: {  	s3 =	rddreg [dreg:$0x2];
	[bflag:$0x3] =	sbarrier.arrive $0xFFFF;
	s2 =	simm.s32 @!p0 $0x1C09  }
0xa2: {  	[timem:s3], [sflag:s2] =	dma.local @!p0 [hbm:s0], s1  }
0xa3: {  	s0 =	simm.s32 @!p0 $0x9  }
0xa4: {  	_ =	swait.ge @!p0 [sflag:s0], s1  }
0xa5: {  	s1 =	ssub.s32 @!p0 $0x0, s1;
	[sflag:s0] =	ssyncset.done @!p0 $0x0  }
0xa6: {  	[sflag:s0] =	ssyncadd.s32 @!p0 s1  }
0xa7: {  	[bflag:$0x3] =	sbarrier.arrive $0xFFFF  }
0xa8: {  	_ =	shalt  }

// kernel: sparse-core-data-format-call.cloned.1.call-start
scs
called_computation_lowered:
.L_overlay_start_0:
0x0: {  	s2 =	sld [smem:$0x3FD9]  }
0x1: {  	s3 =	sld [smem:$0x3FFE];
	_ =	sdelay $0x1  }
0x2: {  	s1 =	srdreg.scid  }
0x3: {  	s0 =	sand.u32 $0x1, s1  }
0x4: {  	s18 =	sshll.u32 s0, $0xA;
	s2 =	sadd.s32 s3, s2  }
0x5: {  	s2 =	sadd.s32 s2, s18  }
0x6: {  	[smem:$0x3FC6] =	sst s2  }
0x7: {  	_ = 	snop  }
0x8: {  	s2 =	sld [smem:$0x3FD0];
	(tm) =	ssettm $0x1  }
0x9: {  	s19 =	sld [smem:$0x3FFB];
	_ =	sdelay $0x3  }
0xa: {  	_ =	strace s19  }
0xb: {  	s3 =	sld [smem:$0x3FFC];
	_ =	sdelay $0x3  }
0xc: {  	_ =	strace s3  }
0xd: {  	s3 =	sld [smem:$0x3FFD];
	_ =	sdelay $0x3  }
0xe: {  	_ =	strace s3  }
0xf: {  	_ =	strace $0x8FFFFFFF  }
0x10: {  	s20 =	sld [smem:$0x3FDB];
	_ =	sdelay $0x1  }
0x11: {  	s4 =	simm.s32 $_scs_section_size  }
0x12: {  	s5 =	simm.s32 $_size__tile_overlayer_lowered;
	s6 =	simm.s32 $_tile_overlayer_lowered  }
0x13: {  	s23 =	simm.s32 $0x1BFF;
	s22 =	sshll.u32 s6, $0x1;
	s3 =	sadd.s32 s4, s20  }
0x14: {  	s7 =	simm.s32 $0x0;
	s21 =	sshll.u32 s5, $0x1;
	s5 =	sadd.s32 s22, s3  }
0x15: {  	[timem:s7], [sflag:s23] =	dma.local [hbm:s5], s21  }
0x16: {  	_ =	swait.ge [sflag:s23], s21  }
0x17: {  	s4 =	ssub.s32 $0x0, s21;
	[sflag:s23] =	ssyncset.done $0x0  }
0x18: {  	[sflag:s23] =	ssyncadd.s32 s4;
	_ =	sdelay $0x1  }
0x19: {  	s24 =	simm.s32 $0x1B8B  }
0x1a: {  	_ =	swait.ge [sflag:s24], $0x1  }
0x1b: {  	[sflag:s24] =	ssyncset.done $0x0  }
0x1c: {  	s26 =	simm.s32 $0x1B8E;
	s25 =	sld [smem:$0x3FFE];
	[sflag:s24] =	ssyncadd.s32 $0xFFFFFFFF  }
0x1d: {  	s27 =	simm.s32 $execute0_lowered;
	[smem:$0x3FD2] =	sst s26  }
0x1e: {  	s5 =	sshll.u32 s27, $0x1;
	_ =	strace $0x80000049;
	[dreg:$0x1] =	wrdreg $0xFFFFFFFF  }
0x1f: {  	s28 =	simm.s32 $_size_execute0_lowered;
	s3 =	sadd.s32 s3, s5;
	[dreg:$0x0] =	wrdreg $0x0  }
0x20: {  	s5 =	sshll.u32 s28, $0x1;
	[dreg:$0x2] =	wrdreg s3  }
0x21: {  	[dreg:$0x3] =	wrdreg s5  }
0x22: {  	[dreg:$0x4] =	wrdreg $0xC0  }
0x23: {  	_ =	task [dreg:s7], $0x5FFFF  }
0x24: {  	[dreg:$0x1] =	wrdreg $0xFFFFFFFF  }
0x25: {  	[dreg:$0x0] =	wrdreg $0x60  }
0x26: {  	[dreg:$0x2] =	wrdreg s25  }
0x27: {  	[dreg:$0x3] =	wrdreg s2  }
0x28: {  	[dreg:$0x4] =	wrdreg $0x9  }
0x29: {  	_ =	task.clear_ibuf [dreg:s7], $0x5FFFF;
	_ =	strace $0x90000049  }
0x2a: {  	s29 =	simm.s32 $0x9;
	_ =	strace $0x8000004B  }
0x2b: {  	_ =	swait.ge [sflag:s29], $0x1  }
0x2c: {  	[sflag:s29] =	ssyncadd.s32 $0xFFFFFFFF  }
0x2d: {  	_ =	strace $0x9000004B  }
0x2e: {  	_ =	sfence  }
0x2f: {  	s30 =	sld [smem:$0x0];
	_ =	sdelay $0x2  }
0x30: {  	s31 =	sshll.u32 s1, $0xD;
	s1 =	sshrl.u32 s1, $0x2  }
0x31: {  	s3 =	sand.u32 $0x4000, s31;
	s1 =	sadd.s32 s1, s30  }
0x32: {  	s0 =	sor.u32 s3, s0;
	s1 =	sshll.u32 s1, $0x11  }
0x33: {  	s0 =	sor.u32 s1, s0  }
0x34: {  	s0 =	sadd.s32 $0x8F2B, s0  }
0x35: {  	[sflag:s0] =	ssyncadd.remote.s32 $0x1  }
0x36: {  	_ =	sfence.sel $0xFFFF  }
0x37: {  	[dreg:$0x0] =	wrdreg $0xFFFFFFFF;
	(pc) =	sbr.abs _section_cstart, $3  }
0x38: {  	[dreg:$0x1] =	wrdreg $0xFFFFFFFF  }
0x39: {  	_ =	task.clear_ibuf [dreg:s7], $0x2FFFF;
	_ =	strace $0x9FFFFFFF  }
0x3a: {  	(tm) =	ssettm $0x7FFFFFFF  }
0x3b: {  	_ =	shalt  }
tec
execute0_lowered:
.L_overlay_start_1:
0x0: {  	(tag) =	ssettag $0x1  }
0x1: {  	s0 =	srdreg.scid  }
0x2: {  	s1 =	sshll.u32 s0, $0x4  }
0x3: {  	s0 =	stileid.u32;
	s1 =	sand.u32 $0x10, s1  }
0x4: {  	s1 =	sor.u32 s0, s1  }
0x5: {  	s6 =	rddreg [dreg:$0x0];
	s4 =	simm.s32 $0x1;
	s2 =	sshll.u32 s1, $0x7  }
0x6: {  	s7 =	simm.s32 $0x2;
	s12 =	simm.s32 $0x0;
	s1 =	ssub.s32 $0x1000, s2  }
0x7: {  	s8 =	simm.s32 $0x8000;
	s13 =	simm.s32 $0x0;
	s3 =	sand.u32 $0xF80, s1  }
0x8: {  	s9 =	simm.s32 $0x0;
	s5 =	sshrl.u32 s1, $0xC;
	p0 =	sne.s32 s3, $0x0  }
.Ltmp0:
0x9: {  	s1 =	rddreg [dreg:$0x2];
	s4 =	simm.s32 @!p0 $0x0;
	(pc) =	sbr.rel .LBB1_1-.Ltmp0, $4  }
0xa: {  	s11 =	simm.s32 $0x0;
	s3 =	rddreg [dreg:$0x1];
	s5 =	sadd.s32 s4, s5  }
0xb: {  	_ =	strace $0x8000004A;
	s4 =	simm.s32 $0x1;
	s5 =	smul.u32 $0xC8, s5  }
0xc: {  	s6 =	sadd.s32 $0xA00, s6;
	s10 =	smov.u32 s2;
	[sflag:s4] =	ssyncpa.u1 $0x0  }
0xd: {  	p0 =	por $0x0, $0x0;
	[sflag:s7] =	ssyncpa.u1 $0x0;
	s7 =	sor.u32 $0x1, s5  }
.LBB1_4:
0xe: {  	s16 =	sshll.u32 s13, $0x3;
	s17 =	sand.u32 $0x78, s13  }
0xf: {  	s30 =	sand.u32 $0x7E00, s13;
	s12 =	sshll.u32 s12, $0xF;
	s16 =	sand.u32 $0xC00, s16  }
0x10: {  	[tilespmem:s15+$0x810 ss:$0x81] =	vst.msk $0xffff, v2;
	s31 =	sand.u32 $0x7, s13;
	s16 =	sor.u32 s17, s16;
	s17 =	sadd.s32 s3, s30  }
0x11: {  	[tilespmem:s15+$0x1020 ss:$0x81] =	vst.msk $0xffff, v0;
	s13 =	sshll.u32 s31, $0x12;
	s12 =	sadd.s32 s12, s17;
	s16 =	sshrl.u32 s16, $0x3  }
0x12: {  	[tilespmem:s15+$0x0 ss:$0x81] =	vst.msk $0xffff, v1;
	s13 =	sor.u32 $0x400, s13;
	s12 =	sadd.s32 s16, s12  }
0x13: {  	[hbm4b:s12+s13] =	stream.strided.scatter [tilespmem:s14], [sflag:$0x2], $0x2000, s8, s13, $0x20;
	[tilespmem:$0x8080] =	vst v63  }
.LBB1_5:
0x14: {  	s14 =	sadd.s32 $0x1, s9  }
0x15: {  	s12 =	sadd.s32 $0x1000, s10;
	s16 =	smov.u32 s10;
	p2 =	sgt.s32 s14, $0xC7  }
0x16: {  	s16 =	smov.u32 @p2 s12  }
0x17: {  	s14 =	simm.s32 @p2 $0x0;
	p2 =	sgt.s32 s16, $0xFFF  }
0x18: {  	s16 =	smov.u32 @p2 s2;
	p2 =	sne.s32 s11, s7  }
.Ltmp1:
0x19: {  	p1 =	slt.u32 s11, $0x2;
	(pc) =	sbr.rel @!p2 .LBB1_6-.Ltmp1, $4  }
0x1a: {  	s15 =	simm.s32 @!p1 $0x2  }
0x1b: {  	s13 =	smov.u32 s10;
	p0 =	por !p0, !p0;
	_ =	swait.ge @!p1 [sflag:s15], $0x2000  }
0x1c: {  	s12 =	smov.u32 s9;
	[sflag:s15] =	ssyncset.done @!p1 $0x0;
	s9 =	smov.u32 s14  }
0x1d: {  	s11 =	sadd.s32 $0x1, s11;
	[sflag:s15] =	ssyncadd.s32 @!p1 $0xFFFFE000;
	s10 =	smov.u32 s16  }
.LBB1_1:
0x1e: {  	p1 =	sge.u32 s11, s5  }
0x1f: {  	s14 =	sand.u32 @!p1 $0x1FFFFFF, s9  }
0x20: {  	s15 =	smulhi.u32 @!p1 $0x147AE15, s14;
	_ =	sdelay $0x1  }
0x21: {  	s15 =	smul.u32 @!p1 $0xC8, s15  }
0x22: {  	s16 =	sxor.u32 @!p1 $0xFFFFFFFF, s11;
	s17 =	smul.u32 @!p1 $0xC80, s10  }
0x23: {  	s31 =	sadd.s32 $0xFFFFFFFF, s11;
	s16 =	sshll.u32 @!p1 s16, $0xD;
	s14 =	ssub.s32 @!p1 s14, s15  }
0x24: {  	s15 =	sand.u32 @!p1 $0x2000, s16;
	s16 =	sadd.s32 @!p1 s6, s17;
	s14 =	sshll.u32 @!p1 s14, $0x4  }
0x25: {  	s17 =	simm.s32 @!p1 $0x6400;
	s14 =	sadd.s32 @!p1 s14, s16;
	s16 =	simm.s32 @!p1 $0x40  }
0x26: {  	[tilespmem:s15], [sflag:$0x1] =	stream.strided.gather @!p1 [hbm4b:s14+s16], $0x2000, s17, s16, $0x38;
	[tilespmem:$0x8080] =	vst v63  }
0x27: {  	p1 =	sge.u32 s31, s5  }
.Ltmp2:
0x28: {  	_ = 	snop;
	(pc) =	sbr.rel @p1 .LBB1_5-.Ltmp2, $1  }
0x29: {  	_ =	sdelay $0x3  }
0x2a: {  	s14 =	simm.s32 $0x1  }
0x2b: {  	_ =	swait.ge [sflag:s4], $0x2000;
	s14 =	simm.s32 @!p0 $0x0  }
0x2c: {  	[sflag:s4] =	ssyncset.done $0x0;
	s15 =	sshll.u32 s14, $0xD  }
0x2d: {  	[sflag:s4] =	ssyncadd.s32 $0xFFFFE000;
	s18 =	sor.u32 $0x20, s15  }
0x2e: {  	s14 =	smul.u32 $0x8100, s14;
	v3 =	vld [tilespmem:s18+$0x10]  }
0x2f: {  	s30 =	sand.u32 $0x1, s11;
	v2 =	vld [tilespmem:s18+$0xFFFFFFF0]  }
0x30: {  	s15 =	smul.u32 $0x8100, s30;
	s14 =	sshrl.u32 s14, $0x2;
	v0 =	vld [tilespmem:s18+$0x0]  }
0x31: {  	v1 =	vld [tilespmem:s18+$0xFFFFFFE0];
	s16 =	sor.u32 $0x4000, s14  }
0x32: {  	s31 =	sshrl.u32 s15, $0x2;
	s15 =	sadd.s32 $0x0, s16  }
0x33: {  	s17 =	simm.s32 $0x4;
	s18 =	sadd.s32 $0x40, s18;
	s14 =	sor.u32 $0x4000, s31;
	[tilespmem:s15+$0x1830 ss:$0x81] =	vst.msk $0xffff, v3  }
.LBB1_3:
0x34: {  	v3 =	vld [tilespmem:s18+$0x10];
	p1 =	sne.s32 s17, $0x1FC;
	[tilespmem:s15+$0x810 ss:$0x81] =	vst.msk $0xffff, v2;
	s19 =	smov.u32 s17;
	s17 =	sadd.s32 $0x4, s17  }
.Ltmp3:
0x35: {  	v2 =	vld [tilespmem:s18+$0xFFFFFFF0];
	[tilespmem:s15+$0x1020 ss:$0x81] =	vst.msk $0xffff, v0;
	(pc) =	sbr.rel @p1 .LBB1_3-.Ltmp3, $4  }
0x36: {  	v0 =	vld [tilespmem:s18+$0x0];
	[tilespmem:s15+$0x0 ss:$0x81] =	vst.msk $0xffff, v1  }
0x37: {  	s15 =	sshra.s32 s19, $0x2;
	v1 =	vld [tilespmem:s18+$0xFFFFFFE0]  }
0x38: {  	s15 =	sadd.s32 s15, s16  }
0x39: {  	s18 =	sadd.s32 $0x40, s18;
	[tilespmem:s15+$0x1830 ss:$0x81] =	vst.msk $0xffff, v3  }
.Ltmp4:
0x3a: {  	_ = 	snop;
	(pc) =	sbr.rel .LBB1_4-.Ltmp4, $1  }
0x3b: {  	_ =	sdelay $0x3  }
.LBB1_6:
0x3c: {  	_ =	sfence.sel $0x180000  }
0x3d: {  	s2 =	simm.s32 $0x1;
	[bflag:$0x0] =	sbarrier.arrive $0xFFFF  }
0x3e: {  	s31 =	simm.s32 $0x2;
	[sflag:s2] =	ssyncpa.u1 $0x1  }
0x3f: {  	[sflag:s31] =	ssyncpa.u1 $0x1  }
0x40: {  	p0 =	sne.s32 s0, $0x0;
	_ =	strace $0x9000004A  }
0x41: {  	s0 =	sadd.s32 @!p0 $0x100000, s1;
	[bflag:$0x2] =	sbarrier.arrive $0xFFFF  }
0x42: {  	[sflag:s0] =	ssyncadd.tile.s32 @!p0 $0x1;
	_ =	shalt  }
.Lfunc_end1:
_tile_overlayer_lowered:
.L_overlay_start_2:
0x43: {  	(tag) =	ssettag $0x2  }
0x44: {  	s0 =	rddreg [dreg:$0x0];
	s2 =	stileid.u32  }
0x45: {  	s1 =	rddreg [dreg:$0x1];
	p0 =	sne.s32 s2, $0x0  }
0x46: {  	s3 =	rddreg [dreg:$0x2];
	[bflag:$0x3] =	sbarrier.arrive $0xFFFF;
	s2 =	simm.s32 @!p0 $0x1C01  }
0x47: {  	[timem:s3], [sflag:s2] =	dma.local @!p0 [hbm:s0], s1  }
0x48: {  	s0 =	simm.s32 @!p0 $0x1  }
0x49: {  	_ =	swait.ge @!p0 [sflag:s0], s1  }
0x4a: {  	s1 =	ssub.s32 @!p0 $0x0, s1;
	[sflag:s0] =	ssyncset.done @!p0 $0x0  }
0x4b: {  	[sflag:s0] =	ssyncadd.s32 @!p0 s1  }
0x4c: {  	[bflag:$0x3] =	sbarrier.arrive $0xFFFF  }
0x4d: {  	_ =	shalt  }

</sc_bundles>
